<compile_context>
chip_gen: v7x
topology: tpu7x:2x2x1
jax: 0.10.2.dev20260603
libtpu: 0.0.44.dev20260713+nightly
codegen_flags: <defaults>
</compile_context>

<pallas_src>
import jax
import jax.numpy as jnp
from jax import lax
from jax.experimental import pallas as pl
from jax.experimental.pallas import tpu as pltpu
from jax.experimental.pallas import tpu_sc as plsc

_N = 2 * 4096 * 2048
_COLS = 2048
_ROWS = _N // _COLS
_K_SC = 10
_NW = 32
_BLK = 512

_N_SC = _K_SC * (_N // 32)
_N_TC = _N - _N_SC
_R_TC = _N_TC // _COLS
_R_SC = _N_SC // _COLS
_TC_GRID = _R_TC // _BLK

_CR = 8
_C = _CR * _COLS
_SPAN_R = _R_SC // _NW
_NCH = _SPAN_R // _CR
_UNROLL = 4


def _tc_body(x_ref, y_ref, w_ref, o_ref):
    i = pl.program_id(0)

    @pl.when(i == 0)
    def _init():
        o_ref[0] = 0.0
        o_ref[1] = 0.0
        o_ref[2] = 0.0
        o_ref[3] = 0.0

    d = jnp.abs(x_ref[...] - y_ref[...])
    t = w_ref[...].astype(jnp.int32)
    w0 = (t & 1).astype(jnp.float32)
    w1 = ((t >> 1) & 1).astype(jnp.float32)
    o_ref[0] += jnp.sum(d * w0)
    o_ref[1] += jnp.sum(w0)
    o_ref[2] += jnp.sum(d * w1)
    o_ref[3] += jnp.sum(w1)


def _sc_body(x_hbm, y_hbm, w_hbm, out_hbm, x_v, y_v, w_v, o_v, sem_a, sem_b):
    wid = lax.axis_index("s") * 2 + lax.axis_index("c")
    row0 = _R_TC + wid * _SPAN_R
    elt0 = wid * (_SPAN_R * _COLS)

    def start(ci, par, sem):
        r = row0 + ci * _CR
        pltpu.async_copy(x_hbm.at[pl.ds(r, _CR)], x_v.at[par], sem)
        pltpu.async_copy(y_hbm.at[pl.ds(r, _CR)], y_v.at[par], sem)
        pltpu.async_copy(w_hbm.at[pl.ds(elt0 + ci * _C, _C)], w_v.at[par], sem)

    def drain(par, sem):
        pltpu.make_async_copy(x_hbm.at[pl.ds(0, _CR)], x_v.at[par], sem).wait()
        pltpu.make_async_copy(y_hbm.at[pl.ds(0, _CR)], y_v.at[par], sem).wait()
        pltpu.make_async_copy(w_hbm.at[pl.ds(0, _C)], w_v.at[par], sem).wait()

    def comp(par, carry):
        def gbody(g, gc):
            s0, s1, c0, c1 = gc
            for u in range(_UNROLL):
                v = g * _UNROLL + u
                row = v >> 7
                col = (v & 127) * 16
                xv = x_v[par, row, pl.ds(col, 16)]
                yv = y_v[par, row, pl.ds(col, 16)]
                t = w_v[par, pl.ds(v * 16, 16)]
                w0i = t & 1
                w1i = t >> 1
                d = jnp.abs(xv - yv)
                s0 = s0 + d * w0i.astype(jnp.float32)
                s1 = s1 + d * w1i.astype(jnp.float32)
                c0 = c0 + w0i
                c1 = c1 + w1i
            return (s0, s1, c0, c1)

        return lax.fori_loop(0, _C // (16 * _UNROLL), gbody, carry)

    start(0, 0, sem_a)
    start(1, 1, sem_b)

    zf = jnp.zeros((16,), jnp.float32)
    zi = jnp.zeros((16,), jnp.int32)

    def sbody(si, carry):
        c0 = 2 * si
        drain(0, sem_a)
        carry = comp(0, carry)

        @pl.when(c0 + 2 < _NCH)
        def _():
            start(c0 + 2, 0, sem_a)

        drain(1, sem_b)
        carry = comp(1, carry)

        @pl.when(c0 + 3 < _NCH)
        def _():
            start(c0 + 3, 1, sem_b)

        return carry

    s0v, s1v, c0v, c1v = lax.fori_loop(0, _NCH // 2, sbody, (zf, zf, zi, zi))

    o_v[0, :] = s0v
    o_v[1, :] = c0v.astype(jnp.float32)
    o_v[2, :] = s1v
    o_v[3, :] = c1v.astype(jnp.float32)
    pltpu.sync_copy(o_v, out_hbm.at[wid])


def _make_sc_call(interpret=False):
    mesh = plsc.VectorSubcoreMesh(core_axis_name="c", subcore_axis_name="s")
    return pl.kernel(
        _sc_body,
        out_type=jax.ShapeDtypeStruct((_NW, 4, 16), jnp.float32),
        mesh=mesh,
        scratch_types=[
            pltpu.VMEM((2, _CR, _COLS), jnp.float32),
            pltpu.VMEM((2, _CR, _COLS), jnp.float32),
            pltpu.VMEM((2, _C), jnp.int32),
            pltpu.VMEM((4, 16), jnp.float32),
            pltpu.SemaphoreType.DMA,
            pltpu.SemaphoreType.DMA,
        ],
        compiler_params=pltpu.CompilerParams(use_tc_tiling_on_sc=True),
        interpret=interpret,
    )


def kernel(input, output, mask0, mask1):
    x = input.reshape(_ROWS, _COLS)
    y = output.reshape(_ROWS, _COLS)
    m0 = mask0.reshape(_ROWS, _COLS)
    m1 = mask1.reshape(_ROWS, _COLS)

    w01 = ((~m0[:_R_TC]).astype(jnp.int8)
           | ((~m1[:_R_TC]).astype(jnp.int8) << 1))

    mt0 = mask0.reshape(-1)[_N_TC:]
    mt1 = mask1.reshape(-1)[_N_TC:]
    wsc = (~mt0).astype(jnp.int32) | ((~mt1).astype(jnp.int32) << 1)

    sc_part = _make_sc_call()(x, y, wsc)

    spec = pl.BlockSpec((_BLK, _COLS), lambda i: (i, 0))
    tc_part = pl.pallas_call(
        _tc_body,
        grid=(_TC_GRID,),
        in_specs=[spec, spec, spec],
        out_specs=pl.BlockSpec(memory_space=pltpu.SMEM),
        out_shape=jax.ShapeDtypeStruct((4,), jnp.float32),
        compiler_params=pltpu.CompilerParams(
            dimension_semantics=("arbitrary",),
        ),
    )(x, y, w01)

    parts = tc_part + sc_part.sum(axis=(0, 2))
    return parts[0] / parts[1] + parts[2] / parts[3]

# --- scband reference (transcript-rebuilt; emitter-appended) ---
"""Pipeline reference for scband-mask-loss-30365418783435 (READ-ONLY COPY).

The authoritative reference and input builder live on the scoring server;
editing this copy changes nothing except your own understanding.
"""

import jax, jax.numpy as jnp
import numpy as np


def setup_inputs(seed: int = 0) -> dict:
    key = jax.random.key(seed)
    k1, k2, k3, k4 = jax.random.split(key, 4)
    shape = (2, 4096, 2048)
    inp = jax.random.normal(k1, shape, dtype=jnp.float32)
    out = jax.random.normal(k2, shape, dtype=jnp.float32)
    mask0 = jax.random.randint(k3, shape, 0, 2).astype(jnp.bool_)
    mask1 = jax.random.randint(k4, shape, 0, 2).astype(jnp.bool_)
    return {"input": inp, "output": out, "mask0": mask0, "mask1": mask1}


def reference(input, output, mask0, mask1):
    # MaskLoss with loss_type='l1' (nn.L1Loss, reduction='mean'):
    # total_loss = sum_over_masks mean(|input[~mask] - output[~mask]|)
    # Boolean-select-then-mean is rewritten as a weighted sum divided by the
    # count of selected elements (identical math, jit-friendly static shapes).
    total_loss = jnp.float32(0.0)
    for mask in (mask0, mask1):
        w = (~mask).astype(input.dtype)
        cnt = w.sum()
        total_loss = total_loss + (jnp.abs(input - output) * w).sum() / cnt
    return total_loss

if __name__ == "__main__":
    import jax
    _d = setup_inputs()
    print(jax.jit(kernel)(*tuple(_d.values())))

</pallas_src>

<mosaic_0001>
#map = affine_map<(d0, d1) -> (0, 0)>
#map1 = affine_map<(d0, d1) -> (0)>
#map2 = affine_map<(d0, d1) -> (0, 0, 0)>
module attributes {stable_mosaic.version = 14 : i64} {
  func.func @_sc_body(%arg0: i32, %arg1: i32, %arg2: memref<8192x2048xf32, #tpu.memory_space<hbm>>, %arg3: memref<8192x2048xf32, #tpu.memory_space<hbm>>, %arg4: memref<5242880xi32, #tpu.memory_space<hbm>>, %arg5: memref<32x4x16xf32, #tpu.memory_space<hbm>>, %arg6: memref<2x8x2048xf32, #tpu.memory_space<vmem>>, %arg7: memref<2x8x2048xf32, #tpu.memory_space<vmem>>, %arg8: memref<2x16384xi32, #tpu.memory_space<vmem>>, %arg9: memref<4x16xf32, #tpu.memory_space<vmem>>, %arg10: memref<!tpu.dma_semaphore, #tpu.memory_space<semaphore_mem>>, %arg11: memref<!tpu.dma_semaphore, #tpu.memory_space<semaphore_mem>>) attributes {dimension_semantics = [#tpu.dimension_semantics<core_parallel>, #tpu.dimension_semantics<subcore_parallel>], iteration_bounds = array<i64: 2, 16>, scalar_prefetch = 0 : i64, scratch_operands = 6 : i64, tpu.core_type = #tpu.core_type<sc_vector_subcore>, window_params = [{transform_indices = #map}, {transform_indices = #map}, {transform_indices = #map1}, {transform_indices = #map2}]} {
    %mul3A = arith.constant 2 : i32
    %mul3A_0 = arith.muli %arg1, %mul3A : i32
    %add3A = arith.addi %mul3A_0, %arg0 : i32
    %mul3A_1 = arith.constant 80 : i32
    %mul3A_2 = arith.muli %add3A, %mul3A_1 : i32
    %add3A_3 = arith.constant 5632 : i32
    %add3A_4 = arith.addi %add3A_3, %mul3A_2 : i32
    %mul3A_5 = arith.constant 163840 : i32
    %mul3A_6 = arith.muli %add3A, %mul3A_5 : i32
    %add3A_7 = arith.constant 0 : i32
    %add3A_8 = arith.addi %add3A_4, %add3A_7 : i32
    %dma_start3A = arith.constant 0 : i32
    %dma_start3A_9 = arith.constant 0 : i32
    %dma_start3A_10 = arith.constant 0 : i32
    %dma_start3A_11 = tpu.memref_slice %arg6[%dma_start3A, %dma_start3A_9, %dma_start3A_10] : memref<2x8x2048xf32, #tpu.memory_space<vmem>> -> memref<1x8x2048xf32, #tpu.memory_space<vmem>>
    %dma_start3A_12 = tpu.memref_squeeze %dma_start3A_11 : memref<1x8x2048xf32, #tpu.memory_space<vmem>> -> memref<8x2048xf32, #tpu.memory_space<vmem>>
    %dma_start3A_13 = arith.constant 0 : i32
    %dma_start3A_14 = tpu.memref_slice %arg2[%add3A_8, %dma_start3A_13] : memref<8192x2048xf32, #tpu.memory_space<hbm>> -> memref<8x2048xf32, #tpu.memory_space<hbm>>
    %dma_start3A_15 = arith.constant 0 : i32
    %dma_start3A_16 = arith.constant 0 : i32
    %dma_start3A_17 = tpu.memref_slice %arg6[%dma_start3A, %dma_start3A_15, %dma_start3A_16] : memref<2x8x2048xf32, #tpu.memory_space<vmem>> -> memref<1x8x2048xf32, #tpu.memory_space<vmem>>
    %dma_start3A_18 = tpu.memref_squeeze %dma_start3A_17 : memref<1x8x2048xf32, #tpu.memory_space<vmem>> -> memref<8x2048xf32, #tpu.memory_space<vmem>>
    %dma_start3A_19 = arith.constant 0 : i32
    %dma_start3A_20 = tpu.memref_slice %arg2[%add3A_8, %dma_start3A_19] : memref<8192x2048xf32, #tpu.memory_space<hbm>> -> memref<8x2048xf32, #tpu.memory_space<hbm>>
    tpu.enqueue_dma source(%dma_start3A_20 : memref<8x2048xf32, #tpu.memory_space<hbm>>) target(%dma_start3A_18 : memref<8x2048xf32, #tpu.memory_space<vmem>>) target_semaphore(%arg10 : memref<!tpu.dma_semaphore, #tpu.memory_space<semaphore_mem>>)
    %dma_start3A_21 = arith.constant 0 : i32
    %dma_start3A_22 = arith.constant 0 : i32
    %dma_start3A_23 = arith.constant 0 : i32
    %dma_start3A_24 = tpu.memref_slice %arg7[%dma_start3A_21, %dma_start3A_22, %dma_start3A_23] : memref<2x8x2048xf32, #tpu.memory_space<vmem>> -> memref<1x8x2048xf32, #tpu.memory_space<vmem>>
    %dma_start3A_25 = tpu.memref_squeeze %dma_start3A_24 : memref<1x8x2048xf32, #tpu.memory_space<vmem>> -> memref<8x2048xf32, #tpu.memory_space<vmem>>
    %dma_start3A_26 = arith.constant 0 : i32
    %dma_start3A_27 = tpu.memref_slice %arg3[%add3A_8, %dma_start3A_26] : memref<8192x2048xf32, #tpu.memory_space<hbm>> -> memref<8x2048xf32, #tpu.memory_space<hbm>>
    %dma_start3A_28 = arith.constant 0 : i32
    %dma_start3A_29 = arith.constant 0 : i32
    %dma_start3A_30 = tpu.memref_slice %arg7[%dma_start3A_21, %dma_start3A_28, %dma_start3A_29] : memref<2x8x2048xf32, #tpu.memory_space<vmem>> -> memref<1x8x2048xf32, #tpu.memory_space<vmem>>
    %dma_start3A_31 = tpu.memref_squeeze %dma_start3A_30 : memref<1x8x2048xf32, #tpu.memory_space<vmem>> -> memref<8x2048xf32, #tpu.memory_space<vmem>>
    %dma_start3A_32 = arith.constant 0 : i32
    %dma_start3A_33 = tpu.memref_slice %arg3[%add3A_8, %dma_start3A_32] : memref<8192x2048xf32, #tpu.memory_space<hbm>> -> memref<8x2048xf32, #tpu.memory_space<hbm>>
    tpu.enqueue_dma source(%dma_start3A_33 : memref<8x2048xf32, #tpu.memory_space<hbm>>) target(%dma_start3A_31 : memref<8x2048xf32, #tpu.memory_space<vmem>>) target_semaphore(%arg10 : memref<!tpu.dma_semaphore, #tpu.memory_space<semaphore_mem>>)
    %add3A_34 = arith.constant 0 : i32
    %add3A_35 = arith.addi %mul3A_6, %add3A_34 : i32
    %dma_start3A_36 = arith.constant 0 : i32
    %dma_start3A_37 = arith.constant 0 : i32
    %dma_start3A_38 = tpu.memref_slice %arg8[%dma_start3A_36, %dma_start3A_37] : memref<2x16384xi32, #tpu.memory_space<vmem>> -> memref<1x16384xi32, #tpu.memory_space<vmem>>
    %dma_start3A_39 = tpu.memref_squeeze %dma_start3A_38 : memref<1x16384xi32, #tpu.memory_space<vmem>> -> memref<16384xi32, #tpu.memory_space<vmem>>
    %dma_start3A_40 = tpu.memref_slice %arg4[%add3A_35] : memref<5242880xi32, #tpu.memory_space<hbm>> -> memref<16384xi32, #tpu.memory_space<hbm>>
    %dma_start3A_41 = arith.constant 0 : i32
    %dma_start3A_42 = tpu.memref_slice %arg8[%dma_start3A_36, %dma_start3A_41] : memref<2x16384xi32, #tpu.memory_space<vmem>> -> memref<1x16384xi32, #tpu.memory_space<vmem>>
    %dma_start3A_43 = tpu.memref_squeeze %dma_start3A_42 : memref<1x16384xi32, #tpu.memory_space<vmem>> -> memref<16384xi32, #tpu.memory_space<vmem>>
    %dma_start3A_44 = tpu.memref_slice %arg4[%add3A_35] : memref<5242880xi32, #tpu.memory_space<hbm>> -> memref<16384xi32, #tpu.memory_space<hbm>>
    tpu.enqueue_dma source(%dma_start3A_44 : memref<16384xi32, #tpu.memory_space<hbm>>) target(%dma_start3A_43 : memref<16384xi32, #tpu.memory_space<vmem>>) target_semaphore(%arg10 : memref<!tpu.dma_semaphore, #tpu.memory_space<semaphore_mem>>)
    %add3A_45 = arith.constant 8 : i32
    %add3A_46 = arith.addi %add3A_4, %add3A_45 : i32
    %dma_start3A_47 = arith.constant 1 : i32
    %dma_start3A_48 = arith.constant 0 : i32
    %dma_start3A_49 = arith.constant 0 : i32
    %dma_start3A_50 = tpu.memref_slice %arg6[%dma_start3A_47, %dma_start3A_48, %dma_start3A_49] : memref<2x8x2048xf32, #tpu.memory_space<vmem>> -> memref<1x8x2048xf32, #tpu.memory_space<vmem>>
    %dma_start3A_51 = tpu.memref_squeeze %dma_start3A_50 : memref<1x8x2048xf32, #tpu.memory_space<vmem>> -> memref<8x2048xf32, #tpu.memory_space<vmem>>
    %dma_start3A_52 = arith.constant 0 : i32
    %dma_start3A_53 = tpu.memref_slice %arg2[%add3A_46, %dma_start3A_52] : memref<8192x2048xf32, #tpu.memory_space<hbm>> -> memref<8x2048xf32, #tpu.memory_space<hbm>>
    %dma_start3A_54 = arith.constant 0 : i32
    %dma_start3A_55 = arith.constant 0 : i32
    %dma_start3A_56 = tpu.memref_slice %arg6[%dma_start3A_47, %dma_start3A_54, %dma_start3A_55] : memref<2x8x2048xf32, #tpu.memory_space<vmem>> -> memref<1x8x2048xf32, #tpu.memory_space<vmem>>
    %dma_start3A_57 = tpu.memref_squeeze %dma_start3A_56 : memref<1x8x2048xf32, #tpu.memory_space<vmem>> -> memref<8x2048xf32, #tpu.memory_space<vmem>>
    %dma_start3A_58 = arith.constant 0 : i32
    %dma_start3A_59 = tpu.memref_slice %arg2[%add3A_46, %dma_start3A_58] : memref<8192x2048xf32, #tpu.memory_space<hbm>> -> memref<8x2048xf32, #tpu.memory_space<hbm>>
    tpu.enqueue_dma source(%dma_start3A_59 : memref<8x2048xf32, #tpu.memory_space<hbm>>) target(%dma_start3A_57 : memref<8x2048xf32, #tpu.memory_space<vmem>>) target_semaphore(%arg11 : memref<!tpu.dma_semaphore, #tpu.memory_space<semaphore_mem>>)
    %dma_start3A_60 = arith.constant 1 : i32
    %dma_start3A_61 = arith.constant 0 : i32
    %dma_start3A_62 = arith.constant 0 : i32
    %dma_start3A_63 = tpu.memref_slice %arg7[%dma_start3A_60, %dma_start3A_61, %dma_start3A_62] : memref<2x8x2048xf32, #tpu.memory_space<vmem>> -> memref<1x8x2048xf32, #tpu.memory_space<vmem>>
    %dma_start3A_64 = tpu.memref_squeeze %dma_start3A_63 : memref<1x8x2048xf32, #tpu.memory_space<vmem>> -> memref<8x2048xf32, #tpu.memory_space<vmem>>
    %dma_start3A_65 = arith.constant 0 : i32
    %dma_start3A_66 = tpu.memref_slice %arg3[%add3A_46, %dma_start3A_65] : memref<8192x2048xf32, #tpu.memory_space<hbm>> -> memref<8x2048xf32, #tpu.memory_space<hbm>>
    %dma_start3A_67 = arith.constant 0 : i32
    %dma_start3A_68 = arith.constant 0 : i32
    %dma_start3A_69 = tpu.memref_slice %arg7[%dma_start3A_60, %dma_start3A_67, %dma_start3A_68] : memref<2x8x2048xf32, #tpu.memory_space<vmem>> -> memref<1x8x2048xf32, #tpu.memory_space<vmem>>
    %dma_start3A_70 = tpu.memref_squeeze %dma_start3A_69 : memref<1x8x2048xf32, #tpu.memory_space<vmem>> -> memref<8x2048xf32, #tpu.memory_space<vmem>>
    %dma_start3A_71 = arith.constant 0 : i32
    %dma_start3A_72 = tpu.memref_slice %arg3[%add3A_46, %dma_start3A_71] : memref<8192x2048xf32, #tpu.memory_space<hbm>> -> memref<8x2048xf32, #tpu.memory_space<hbm>>
    tpu.enqueue_dma source(%dma_start3A_72 : memref<8x2048xf32, #tpu.memory_space<hbm>>) target(%dma_start3A_70 : memref<8x2048xf32, #tpu.memory_space<vmem>>) target_semaphore(%arg11 : memref<!tpu.dma_semaphore, #tpu.memory_space<semaphore_mem>>)
    %add3A_73 = arith.constant 16384 : i32
    %add3A_74 = arith.addi %mul3A_6, %add3A_73 : i32
    %dma_start3A_75 = arith.constant 1 : i32
    %dma_start3A_76 = arith.constant 0 : i32
    %dma_start3A_77 = tpu.memref_slice %arg8[%dma_start3A_75, %dma_start3A_76] : memref<2x16384xi32, #tpu.memory_space<vmem>> -> memref<1x16384xi32, #tpu.memory_space<vmem>>
    %dma_start3A_78 = tpu.memref_squeeze %dma_start3A_77 : memref<1x16384xi32, #tpu.memory_space<vmem>> -> memref<16384xi32, #tpu.memory_space<vmem>>
    %dma_start3A_79 = tpu.memref_slice %arg4[%add3A_74] : memref<5242880xi32, #tpu.memory_space<hbm>> -> memref<16384xi32, #tpu.memory_space<hbm>>
    %dma_start3A_80 = arith.constant 0 : i32
    %dma_start3A_81 = tpu.memref_slice %arg8[%dma_start3A_75, %dma_start3A_80] : memref<2x16384xi32, #tpu.memory_space<vmem>> -> memref<1x16384xi32, #tpu.memory_space<vmem>>
    %dma_start3A_82 = tpu.memref_squeeze %dma_start3A_81 : memref<1x16384xi32, #tpu.memory_space<vmem>> -> memref<16384xi32, #tpu.memory_space<vmem>>
    %dma_start3A_83 = tpu.memref_slice %arg4[%add3A_74] : memref<5242880xi32, #tpu.memory_space<hbm>> -> memref<16384xi32, #tpu.memory_space<hbm>>
    tpu.enqueue_dma source(%dma_start3A_83 : memref<16384xi32, #tpu.memory_space<hbm>>) target(%dma_start3A_82 : memref<16384xi32, #tpu.memory_space<vmem>>) target_semaphore(%arg11 : memref<!tpu.dma_semaphore, #tpu.memory_space<semaphore_mem>>)
    %broadcast_in_dim3A = arith.constant 0.000000e+00 : f32
    %broadcast_in_dim3A_84 = vector.broadcast %broadcast_in_dim3A : f32 to vector<16xf32>
    %broadcast_in_dim3A_85 = arith.constant 0 : i32
    %broadcast_in_dim3A_86 = vector.broadcast %broadcast_in_dim3A_85 : i32 to vector<16xi32>
    %scan3A = arith.constant 0 : i32
    %scan3A_87 = arith.constant 5 : i32
    %scan3A_88 = arith.addi %scan3A, %scan3A_87 : i32
    %scan3A_89 = arith.constant 1 : i32
    %scan3A_90:4 = scf.for %scan3A_116 = %scan3A to %scan3A_88 step %scan3A_89 iter_args(%scan3A_117 = %broadcast_in_dim3A_84, %scan3A_118 = %broadcast_in_dim3A_84, %scan3A_119 = %broadcast_in_dim3A_86, %scan3A_120 = %broadcast_in_dim3A_86) -> (vector<16xf32>, vector<16xf32>, vector<16xi32>, vector<16xi32>)  : i32 {
      %mul3A_121 = arith.constant 2 : i32
      %mul3A_122 = arith.muli %mul3A_121, %scan3A_116 : i32
      %dma_wait3A = arith.constant 0 : i32
      %dma_wait3A_123 = arith.constant 0 : i32
      %dma_wait3A_124 = arith.constant 0 : i32
      %dma_wait3A_125 = tpu.memref_slice %arg6[%dma_wait3A, %dma_wait3A_123, %dma_wait3A_124] : memref<2x8x2048xf32, #tpu.memory_space<vmem>> -> memref<1x8x2048xf32, #tpu.memory_space<vmem>>
      %dma_wait3A_126 = tpu.memref_squeeze %dma_wait3A_125 : memref<1x8x2048xf32, #tpu.memory_space<vmem>> -> memref<8x2048xf32, #tpu.memory_space<vmem>>
      %dma_wait3A_127 = arith.constant 0 : i32
      %dma_wait3A_128 = arith.constant 0 : i32
      %dma_wait3A_129 = tpu.memref_slice %arg2[%dma_wait3A_127, %dma_wait3A_128] : memref<8192x2048xf32, #tpu.memory_space<hbm>> -> memref<8x2048xf32, #tpu.memory_space<hbm>>
      %dma_wait3A_130 = arith.constant 0 : i32
      %dma_wait3A_131 = arith.constant 0 : i32
      %dma_wait3A_132 = tpu.memref_slice %arg6[%dma_wait3A, %dma_wait3A_130, %dma_wait3A_131] : memref<2x8x2048xf32, #tpu.memory_space<vmem>> -> memref<1x8x2048xf32, #tpu.memory_space<vmem>>
      %dma_wait3A_133 = tpu.memref_squeeze %dma_wait3A_132 : memref<1x8x2048xf32, #tpu.memory_space<vmem>> -> memref<8x2048xf32, #tpu.memory_space<vmem>>
      %dma_wait3A_134 = arith.constant 0 : i32
      %dma_wait3A_135 = arith.constant 0 : i32
      %dma_wait3A_136 = tpu.memref_slice %arg2[%dma_wait3A_134, %dma_wait3A_135] : memref<8192x2048xf32, #tpu.memory_space<hbm>> -> memref<8x2048xf32, #tpu.memory_space<hbm>>
      tpu.wait_dma2 semaphore(%arg10 : memref<!tpu.dma_semaphore, #tpu.memory_space<semaphore_mem>>) src(%dma_wait3A_136 : memref<8x2048xf32, #tpu.memory_space<hbm>>) dst(%dma_wait3A_133 : memref<8x2048xf32, #tpu.memory_space<vmem>>)
      %dma_wait3A_137 = arith.constant 0 : i32
      %dma_wait3A_138 = arith.constant 0 : i32
      %dma_wait3A_139 = arith.constant 0 : i32
      %dma_wait3A_140 = tpu.memref_slice %arg7[%dma_wait3A_137, %dma_wait3A_138, %dma_wait3A_139] : memref<2x8x2048xf32, #tpu.memory_space<vmem>> -> memref<1x8x2048xf32, #tpu.memory_space<vmem>>
      %dma_wait3A_141 = tpu.memref_squeeze %dma_wait3A_140 : memref<1x8x2048xf32, #tpu.memory_space<vmem>> -> memref<8x2048xf32, #tpu.memory_space<vmem>>
      %dma_wait3A_142 = arith.constant 0 : i32
      %dma_wait3A_143 = arith.constant 0 : i32
      %dma_wait3A_144 = tpu.memref_slice %arg3[%dma_wait3A_142, %dma_wait3A_143] : memref<8192x2048xf32, #tpu.memory_space<hbm>> -> memref<8x2048xf32, #tpu.memory_space<hbm>>
      %dma_wait3A_145 = arith.constant 0 : i32
      %dma_wait3A_146 = arith.constant 0 : i32
      %dma_wait3A_147 = tpu.memref_slice %arg7[%dma_wait3A_137, %dma_wait3A_145, %dma_wait3A_146] : memref<2x8x2048xf32, #tpu.memory_space<vmem>> -> memref<1x8x2048xf32, #tpu.memory_space<vmem>>
      %dma_wait3A_148 = tpu.memref_squeeze %dma_wait3A_147 : memref<1x8x2048xf32, #tpu.memory_space<vmem>> -> memref<8x2048xf32, #tpu.memory_space<vmem>>
      %dma_wait3A_149 = arith.constant 0 : i32
      %dma_wait3A_150 = arith.constant 0 : i32
      %dma_wait3A_151 = tpu.memref_slice %arg3[%dma_wait3A_149, %dma_wait3A_150] : memref<8192x2048xf32, #tpu.memory_space<hbm>> -> memref<8x2048xf32, #tpu.memory_space<hbm>>
      tpu.wait_dma2 semaphore(%arg10 : memref<!tpu.dma_semaphore, #tpu.memory_space<semaphore_mem>>) src(%dma_wait3A_151 : memref<8x2048xf32, #tpu.memory_space<hbm>>) dst(%dma_wait3A_148 : memref<8x2048xf32, #tpu.memory_space<vmem>>)
      %dma_wait3A_152 = arith.constant 0 : i32
      %dma_wait3A_153 = arith.constant 0 : i32
      %dma_wait3A_154 = tpu.memref_slice %arg8[%dma_wait3A_152, %dma_wait3A_153] : memref<2x16384xi32, #tpu.memory_space<vmem>> -> memref<1x16384xi32, #tpu.memory_space<vmem>>
      %dma_wait3A_155 = tpu.memref_squeeze %dma_wait3A_154 : memref<1x16384xi32, #tpu.memory_space<vmem>> -> memref<16384xi32, #tpu.memory_space<vmem>>
      %dma_wait3A_156 = arith.constant 0 : i32
      %dma_wait3A_157 = tpu.memref_slice %arg4[%dma_wait3A_156] : memref<5242880xi32, #tpu.memory_space<hbm>> -> memref<16384xi32, #tpu.memory_space<hbm>>
      %dma_wait3A_158 = arith.constant 0 : i32
      %dma_wait3A_159 = tpu.memref_slice %arg8[%dma_wait3A_152, %dma_wait3A_158] : memref<2x16384xi32, #tpu.memory_space<vmem>> -> memref<1x16384xi32, #tpu.memory_space<vmem>>
      %dma_wait3A_160 = tpu.memref_squeeze %dma_wait3A_159 : memref<1x16384xi32, #tpu.memory_space<vmem>> -> memref<16384xi32, #tpu.memory_space<vmem>>
      %dma_wait3A_161 = arith.constant 0 : i32
      %dma_wait3A_162 = tpu.memref_slice %arg4[%dma_wait3A_161] : memref<5242880xi32, #tpu.memory_space<hbm>> -> memref<16384xi32, #tpu.memory_space<hbm>>
      tpu.wait_dma2 semaphore(%arg10 : memref<!tpu.dma_semaphore, #tpu.memory_space<semaphore_mem>>) src(%dma_wait3A_162 : memref<16384xi32, #tpu.memory_space<hbm>>) dst(%dma_wait3A_160 : memref<16384xi32, #tpu.memory_space<vmem>>)
      %scan3A_163 = arith.constant 0 : i32
      %scan3A_164 = arith.constant 256 : i32
      %scan3A_165 = arith.addi %scan3A_163, %scan3A_164 : i32
      %scan3A_166 = arith.constant 1 : i32
      %scan3A_167:4 = scf.for %scan3A_228 = %scan3A_163 to %scan3A_165 step %scan3A_166 iter_args(%scan3A_229 = %scan3A_117, %scan3A_230 = %scan3A_118, %scan3A_231 = %scan3A_119, %scan3A_232 = %scan3A_120) -> (vector<16xf32>, vector<16xf32>, vector<16xi32>, vector<16xi32>)  : i32 {
        %mul3A_233 = arith.constant 4 : i32
        %mul3A_234 = arith.muli %scan3A_228, %mul3A_233 : i32
        %add3A_235 = arith.constant 0 : i32
        %add3A_236 = arith.addi %mul3A_234, %add3A_235 : i32
        %shift_right_arithmetic3A = arith.constant 7 : i32
        %shift_right_arithmetic3A_237 = arith.shrsi %add3A_236, %shift_right_arithmetic3A : i32
        %and3A = arith.constant 127 : i32
        %and3A_238 = arith.andi %add3A_236, %and3A : i32
        %mul3A_239 = arith.constant 16 : i32
        %mul3A_240 = arith.muli %and3A_238, %mul3A_239 : i32
        %get3A = arith.constant 0 : i32
        %get3A_241 = arith.index_cast %get3A : i32 to index
        %get3A_242 = arith.index_cast %shift_right_arithmetic3A_237 : i32 to index
        %get3A_243 = arith.index_cast %mul3A_240 : i32 to index
        %get3A_244 = tpu.vector_load %arg6[%get3A_241, %get3A_242, %get3A_243] {strides = array<i32>} : memref<2x8x2048xf32, #tpu.memory_space<vmem>>, vector<1x1x16xf32>,
        %get3A_245 = vector.shape_cast %get3A_244 : vector<1x1x16xf32> to vector<16xf32>
        %get3A_246 = arith.constant 0 : i32
        %get3A_247 = arith.index_cast %get3A_246 : i32 to index
        %get3A_248 = arith.index_cast %shift_right_arithmetic3A_237 : i32 to index
        %get3A_249 = arith.index_cast %mul3A_240 : i32 to index
        %get3A_250 = tpu.vector_load %arg7[%get3A_247, %get3A_248, %get3A_249] {strides = array<i32>} : memref<2x8x2048xf32, #tpu.memory_space<vmem>>, vector<1x1x16xf32>,
        %get3A_251 = vector.shape_cast %get3A_250 : vector<1x1x16xf32> to vector<16xf32>
        %mul3A_252 = arith.constant 16 : i32
        %mul3A_253 = arith.muli %add3A_236, %mul3A_252 : i32
        %get3A_254 = arith.constant 0 : i32
        %get3A_255 = arith.index_cast %get3A_254 : i32 to index
        %get3A_256 = arith.index_cast %mul3A_253 : i32 to index
        %get3A_257 = tpu.vector_load %arg8[%get3A_255, %get3A_256] {strides = array<i32>} : memref<2x16384xi32, #tpu.memory_space<vmem>>, vector<1x16xi32>,
        %get3A_258 = vector.shape_cast %get3A_257 : vector<1x16xi32> to vector<16xi32>
        %and3A_259 = arith.constant 1 : i32
        %and3A_260 = vector.broadcast %and3A_259 : i32 to vector<16xi32>
        %and3A_261 = arith.andi %get3A_258, %and3A_260 : vector<16xi32>
        %shift_right_arithmetic3A_262 = arith.constant 1 : i32
        %shift_right_arithmetic3A_263 = vector.broadcast %shift_right_arithmetic3A_262 : i32 to vector<16xi32>
        %shift_right_arithmetic3A_264 = arith.shrsi %get3A_258, %shift_right_arithmetic3A_263 : vector<16xi32>
        %sub3A = arith.subf %get3A_245, %get3A_251 : vector<16xf32>
        %abs3A = math.absf %sub3A : vector<16xf32>
        %convert_element_type3A_265 = arith.sitofp %and3A_261 : vector<16xi32> to vector<16xf32>
        %mul3A_266 = arith.mulf %abs3A, %convert_element_type3A_265 : vector<16xf32>
        %add3A_267 = arith.addf %scan3A_229, %mul3A_266 : vector<16xf32>
        %convert_element_type3A_268 = arith.sitofp %shift_right_arithmetic3A_264 : vector<16xi32> to vector<16xf32>
        %mul3A_269 = arith.mulf %abs3A, %convert_element_type3A_268 : vector<16xf32>
        %add3A_270 = arith.addf %scan3A_230, %mul3A_269 : vector<16xf32>
        %add3A_271 = arith.addi %scan3A_231, %and3A_261 : vector<16xi32>
        %add3A_272 = arith.addi %scan3A_232, %shift_right_arithmetic3A_264 : vector<16xi32>
        %mul3A_273 = arith.constant 4 : i32
        %mul3A_274 = arith.muli %scan3A_228, %mul3A_273 : i32
        %add3A_275 = arith.constant 1 : i32
        %add3A_276 = arith.addi %mul3A_274, %add3A_275 : i32
        %shift_right_arithmetic3A_277 = arith.constant 7 : i32
        %shift_right_arithmetic3A_278 = arith.shrsi %add3A_276, %shift_right_arithmetic3A_277 : i32
        %and3A_279 = arith.constant 127 : i32
        %and3A_280 = arith.andi %add3A_276, %and3A_279 : i32
        %mul3A_281 = arith.constant 16 : i32
        %mul3A_282 = arith.muli %and3A_280, %mul3A_281 : i32
        %get3A_283 = arith.constant 0 : i32
        %get3A_284 = arith.index_cast %get3A_283 : i32 to index
        %get3A_285 = arith.index_cast %shift_right_arithmetic3A_278 : i32 to index
        %get3A_286 = arith.index_cast %mul3A_282 : i32 to index
        %get3A_287 = tpu.vector_load %arg6[%get3A_284, %get3A_285, %get3A_286] {strides = array<i32>} : memref<2x8x2048xf32, #tpu.memory_space<vmem>>, vector<1x1x16xf32>,
        %get3A_288 = vector.shape_cast %get3A_287 : vector<1x1x16xf32> to vector<16xf32>
        %get3A_289 = arith.constant 0 : i32
        %get3A_290 = arith.index_cast %get3A_289 : i32 to index
        %get3A_291 = arith.index_cast %shift_right_arithmetic3A_278 : i32 to index
        %get3A_292 = arith.index_cast %mul3A_282 : i32 to index
        %get3A_293 = tpu.vector_load %arg7[%get3A_290, %get3A_291, %get3A_292] {strides = array<i32>} : memref<2x8x2048xf32, #tpu.memory_space<vmem>>, vector<1x1x16xf32>,
        %get3A_294 = vector.shape_cast %get3A_293 : vector<1x1x16xf32> to vector<16xf32>
        %mul3A_295 = arith.constant 16 : i32
        %mul3A_296 = arith.muli %add3A_276, %mul3A_295 : i32
        %get3A_297 = arith.constant 0 : i32
        %get3A_298 = arith.index_cast %get3A_297 : i32 to index
        %get3A_299 = arith.index_cast %mul3A_296 : i32 to index
        %get3A_300 = tpu.vector_load %arg8[%get3A_298, %get3A_299] {strides = array<i32>} : memref<2x16384xi32, #tpu.memory_space<vmem>>, vector<1x16xi32>,
        %get3A_301 = vector.shape_cast %get3A_300 : vector<1x16xi32> to vector<16xi32>
        %and3A_302 = arith.constant 1 : i32
        %and3A_303 = vector.broadcast %and3A_302 : i32 to vector<16xi32>
        %and3A_304 = arith.andi %get3A_301, %and3A_303 : vector<16xi32>
        %shift_right_arithmetic3A_305 = arith.constant 1 : i32
        %shift_right_arithmetic3A_306 = vector.broadcast %shift_right_arithmetic3A_305 : i32 to vector<16xi32>
        %shift_right_arithmetic3A_307 = arith.shrsi %get3A_301, %shift_right_arithmetic3A_306 : vector<16xi32>
        %sub3A_308 = arith.subf %get3A_288, %get3A_294 : vector<16xf32>
        %abs3A_309 = math.absf %sub3A_308 : vector<16xf32>
        %convert_element_type3A_310 = arith.sitofp %and3A_304 : vector<16xi32> to vector<16xf32>
        %mul3A_311 = arith.mulf %abs3A_309, %convert_element_type3A_310 : vector<16xf32>
        %add3A_312 = arith.addf %add3A_267, %mul3A_311 : vector<16xf32>
        %convert_element_type3A_313 = arith.sitofp %shift_right_arithmetic3A_307 : vector<16xi32> to vector<16xf32>
        %mul3A_314 = arith.mulf %abs3A_309, %convert_element_type3A_313 : vector<16xf32>
        %add3A_315 = arith.addf %add3A_270, %mul3A_314 : vector<16xf32>
        %add3A_316 = arith.addi %add3A_271, %and3A_304 : vector<16xi32>
        %add3A_317 = arith.addi %add3A_272, %shift_right_arithmetic3A_307 : vector<16xi32>
        %mul3A_318 = arith.constant 4 : i32
        %mul3A_319 = arith.muli %scan3A_228, %mul3A_318 : i32
        %add3A_320 = arith.constant 2 : i32
        %add3A_321 = arith.addi %mul3A_319, %add3A_320 : i32
        %shift_right_arithmetic3A_322 = arith.constant 7 : i32
        %shift_right_arithmetic3A_323 = arith.shrsi %add3A_321, %shift_right_arithmetic3A_322 : i32
        %and3A_324 = arith.constant 127 : i32
        %and3A_325 = arith.andi %add3A_321, %and3A_324 : i32
        %mul3A_326 = arith.constant 16 : i32
        %mul3A_327 = arith.muli %and3A_325, %mul3A_326 : i32
        %get3A_328 = arith.constant 0 : i32
        %get3A_329 = arith.index_cast %get3A_328 : i32 to index
        %get3A_330 = arith.index_cast %shift_right_arithmetic3A_323 : i32 to index
        %get3A_331 = arith.index_cast %mul3A_327 : i32 to index
        %get3A_332 = tpu.vector_load %arg6[%get3A_329, %get3A_330, %get3A_331] {strides = array<i32>} : memref<2x8x2048xf32, #tpu.memory_space<vmem>>, vector<1x1x16xf32>,
        %get3A_333 = vector.shape_cast %get3A_332 : vector<1x1x16xf32> to vector<16xf32>
        %get3A_334 = arith.constant 0 : i32
        %get3A_335 = arith.index_cast %get3A_334 : i32 to index
        %get3A_336 = arith.index_cast %shift_right_arithmetic3A_323 : i32 to index
        %get3A_337 = arith.index_cast %mul3A_327 : i32 to index
        %get3A_338 = tpu.vector_load %arg7[%get3A_335, %get3A_336, %get3A_337] {strides = array<i32>} : memref<2x8x2048xf32, #tpu.memory_space<vmem>>, vector<1x1x16xf32>,
        %get3A_339 = vector.shape_cast %get3A_338 : vector<1x1x16xf32> to vector<16xf32>
        %mul3A_340 = arith.constant 16 : i32
        %mul3A_341 = arith.muli %add3A_321, %mul3A_340 : i32
        %get3A_342 = arith.constant 0 : i32
        %get3A_343 = arith.index_cast %get3A_342 : i32 to index
        %get3A_344 = arith.index_cast %mul3A_341 : i32 to index
        %get3A_345 = tpu.vector_load %arg8[%get3A_343, %get3A_344] {strides = array<i32>} : memref<2x16384xi32, #tpu.memory_space<vmem>>, vector<1x16xi32>,
        %get3A_346 = vector.shape_cast %get3A_345 : vector<1x16xi32> to vector<16xi32>
        %and3A_347 = arith.constant 1 : i32
        %and3A_348 = vector.broadcast %and3A_347 : i32 to vector<16xi32>
        %and3A_349 = arith.andi %get3A_346, %and3A_348 : vector<16xi32>
        %shift_right_arithmetic3A_350 = arith.constant 1 : i32
        %shift_right_arithmetic3A_351 = vector.broadcast %shift_right_arithmetic3A_350 : i32 to vector<16xi32>
        %shift_right_arithmetic3A_352 = arith.shrsi %get3A_346, %shift_right_arithmetic3A_351 : vector<16xi32>
        %sub3A_353 = arith.subf %get3A_333, %get3A_339 : vector<16xf32>
        %abs3A_354 = math.absf %sub3A_353 : vector<16xf32>
        %convert_element_type3A_355 = arith.sitofp %and3A_349 : vector<16xi32> to vector<16xf32>
        %mul3A_356 = arith.mulf %abs3A_354, %convert_element_type3A_355 : vector<16xf32>
        %add3A_357 = arith.addf %add3A_312, %mul3A_356 : vector<16xf32>
        %convert_element_type3A_358 = arith.sitofp %shift_right_arithmetic3A_352 : vector<16xi32> to vector<16xf32>
        %mul3A_359 = arith.mulf %abs3A_354, %convert_element_type3A_358 : vector<16xf32>
        %add3A_360 = arith.addf %add3A_315, %mul3A_359 : vector<16xf32>
        %add3A_361 = arith.addi %add3A_316, %and3A_349 : vector<16xi32>
        %add3A_362 = arith.addi %add3A_317, %shift_right_arithmetic3A_352 : vector<16xi32>
        %mul3A_363 = arith.constant 4 : i32
        %mul3A_364 = arith.muli %scan3A_228, %mul3A_363 : i32
        %add3A_365 = arith.constant 3 : i32
        %add3A_366 = arith.addi %mul3A_364, %add3A_365 : i32
        %shift_right_arithmetic3A_367 = arith.constant 7 : i32
        %shift_right_arithmetic3A_368 = arith.shrsi %add3A_366, %shift_right_arithmetic3A_367 : i32
        %and3A_369 = arith.constant 127 : i32
        %and3A_370 = arith.andi %add3A_366, %and3A_369 : i32
        %mul3A_371 = arith.constant 16 : i32
        %mul3A_372 = arith.muli %and3A_370, %mul3A_371 : i32
        %get3A_373 = arith.constant 0 : i32
        %get3A_374 = arith.index_cast %get3A_373 : i32 to index
        %get3A_375 = arith.index_cast %shift_right_arithmetic3A_368 : i32 to index
        %get3A_376 = arith.index_cast %mul3A_372 : i32 to index
        %get3A_377 = tpu.vector_load %arg6[%get3A_374, %get3A_375, %get3A_376] {strides = array<i32>} : memref<2x8x2048xf32, #tpu.memory_space<vmem>>, vector<1x1x16xf32>,
        %get3A_378 = vector.shape_cast %get3A_377 : vector<1x1x16xf32> to vector<16xf32>
        %get3A_379 = arith.constant 0 : i32
        %get3A_380 = arith.index_cast %get3A_379 : i32 to index
        %get3A_381 = arith.index_cast %shift_right_arithmetic3A_368 : i32 to index
        %get3A_382 = arith.index_cast %mul3A_372 : i32 to index
        %get3A_383 = tpu.vector_load %arg7[%get3A_380, %get3A_381, %get3A_382] {strides = array<i32>} : memref<2x8x2048xf32, #tpu.memory_space<vmem>>, vector<1x1x16xf32>,
        %get3A_384 = vector.shape_cast %get3A_383 : vector<1x1x16xf32> to vector<16xf32>
        %mul3A_385 = arith.constant 16 : i32
        %mul3A_386 = arith.muli %add3A_366, %mul3A_385 : i32
        %get3A_387 = arith.constant 0 : i32
        %get3A_388 = arith.index_cast %get3A_387 : i32 to index
        %get3A_389 = arith.index_cast %mul3A_386 : i32 to index
        %get3A_390 = tpu.vector_load %arg8[%get3A_388, %get3A_389] {strides = array<i32>} : memref<2x16384xi32, #tpu.memory_space<vmem>>, vector<1x16xi32>,
        %get3A_391 = vector.shape_cast %get3A_390 : vector<1x16xi32> to vector<16xi32>
        %and3A_392 = arith.constant 1 : i32
        %and3A_393 = vector.broadcast %and3A_392 : i32 to vector<16xi32>
        %and3A_394 = arith.andi %get3A_391, %and3A_393 : vector<16xi32>
        %shift_right_arithmetic3A_395 = arith.constant 1 : i32
        %shift_right_arithmetic3A_396 = vector.broadcast %shift_right_arithmetic3A_395 : i32 to vector<16xi32>
        %shift_right_arithmetic3A_397 = arith.shrsi %get3A_391, %shift_right_arithmetic3A_396 : vector<16xi32>
        %sub3A_398 = arith.subf %get3A_378, %get3A_384 : vector<16xf32>
        %abs3A_399 = math.absf %sub3A_398 : vector<16xf32>
        %convert_element_type3A_400 = arith.sitofp %and3A_394 : vector<16xi32> to vector<16xf32>
        %mul3A_401 = arith.mulf %abs3A_399, %convert_element_type3A_400 : vector<16xf32>
        %add3A_402 = arith.addf %add3A_357, %mul3A_401 : vector<16xf32>
        %convert_element_type3A_403 = arith.sitofp %shift_right_arithmetic3A_397 : vector<16xi32> to vector<16xf32>
        %mul3A_404 = arith.mulf %abs3A_399, %convert_element_type3A_403 : vector<16xf32>
        %add3A_405 = arith.addf %add3A_360, %mul3A_404 : vector<16xf32>
        %add3A_406 = arith.addi %add3A_361, %and3A_394 : vector<16xi32>
        %add3A_407 = arith.addi %add3A_362, %shift_right_arithmetic3A_397 : vector<16xi32>
        scf.yield %add3A_402, %add3A_405, %add3A_406, %add3A_407 : vector<16xf32>, vector<16xf32>, vector<16xi32>, vector<16xi32>
      }
      %scan3A_168 = arith.constant 256 : i32
      %add3A_169 = arith.constant 2 : i32
      %add3A_170 = arith.addi %mul3A_122, %add3A_169 : i32
      %lt3A = arith.constant 10 : i32
      %lt3A_171 = arith.cmpi slt, %add3A_170, %lt3A : i32
      %convert_element_type3A_172 = arith.extui %lt3A_171 : i1 to i32
      %cond3A = arith.constant 0 : i32
      %cond3A_173 = arith.cmpi ne, %convert_element_type3A_172, %cond3A : i32
      scf.if %cond3A_173 {
        %add3A_228 = arith.constant 2 : i32
        %add3A_229 = arith.addi %mul3A_122, %add3A_228 : i32
        %mul3A_230 = arith.constant 8 : i32
        %mul3A_231 = arith.muli %add3A_229, %mul3A_230 : i32
        %add3A_232 = arith.addi %add3A_4, %mul3A_231 : i32
        %dma_start3A_233 = arith.constant 0 : i32
        %dma_start3A_234 = arith.constant 0 : i32
        %dma_start3A_235 = arith.constant 0 : i32
        %dma_start3A_236 = tpu.memref_slice %arg6[%dma_start3A_233, %dma_start3A_234, %dma_start3A_235] : memref<2x8x2048xf32, #tpu.memory_space<vmem>> -> memref<1x8x2048xf32, #tpu.memory_space<vmem>>
        %dma_start3A_237 = tpu.memref_squeeze %dma_start3A_236 : memref<1x8x2048xf32, #tpu.memory_space<vmem>> -> memref<8x2048xf32, #tpu.memory_space<vmem>>
        %dma_start3A_238 = arith.constant 0 : i32
        %dma_start3A_239 = tpu.memref_slice %arg2[%add3A_232, %dma_start3A_238] : memref<8192x2048xf32, #tpu.memory_space<hbm>> -> memref<8x2048xf32, #tpu.memory_space<hbm>>
        %dma_start3A_240 = arith.constant 0 : i32
        %dma_start3A_241 = arith.constant 0 : i32
        %dma_start3A_242 = tpu.memref_slice %arg6[%dma_start3A_233, %dma_start3A_240, %dma_start3A_241] : memref<2x8x2048xf32, #tpu.memory_space<vmem>> -> memref<1x8x2048xf32, #tpu.memory_space<vmem>>
        %dma_start3A_243 = tpu.memref_squeeze %dma_start3A_242 : memref<1x8x2048xf32, #tpu.memory_space<vmem>> -> memref<8x2048xf32, #tpu.memory_space<vmem>>
        %dma_start3A_244 = arith.constant 0 : i32
        %dma_start3A_245 = tpu.memref_slice %arg2[%add3A_232, %dma_start3A_244] : memref<8192x2048xf32, #tpu.memory_space<hbm>> -> memref<8x2048xf32, #tpu.memory_space<hbm>>
        tpu.enqueue_dma source(%dma_start3A_245 : memref<8x2048xf32, #tpu.memory_space<hbm>>) target(%dma_start3A_243 : memref<8x2048xf32, #tpu.memory_space<vmem>>) target_semaphore(%arg10 : memref<!tpu.dma_semaphore, #tpu.memory_space<semaphore_mem>>)
        %dma_start3A_246 = arith.constant 0 : i32
        %dma_start3A_247 = arith.constant 0 : i32
        %dma_start3A_248 = arith.constant 0 : i32
        %dma_start3A_249 = tpu.memref_slice %arg7[%dma_start3A_246, %dma_start3A_247, %dma_start3A_248] : memref<2x8x2048xf32, #tpu.memory_space<vmem>> -> memref<1x8x2048xf32, #tpu.memory_space<vmem>>
        %dma_start3A_250 = tpu.memref_squeeze %dma_start3A_249 : memref<1x8x2048xf32, #tpu.memory_space<vmem>> -> memref<8x2048xf32, #tpu.memory_space<vmem>>
        %dma_start3A_251 = arith.constant 0 : i32
        %dma_start3A_252 = tpu.memref_slice %arg3[%add3A_232, %dma_start3A_251] : memref<8192x2048xf32, #tpu.memory_space<hbm>> -> memref<8x2048xf32, #tpu.memory_space<hbm>>
        %dma_start3A_253 = arith.constant 0 : i32
        %dma_start3A_254 = arith.constant 0 : i32
        %dma_start3A_255 = tpu.memref_slice %arg7[%dma_start3A_246, %dma_start3A_253, %dma_start3A_254] : memref<2x8x2048xf32, #tpu.memory_space<vmem>> -> memref<1x8x2048xf32, #tpu.memory_space<vmem>>
        %dma_start3A_256 = tpu.memref_squeeze %dma_start3A_255 : memref<1x8x2048xf32, #tpu.memory_space<vmem>> -> memref<8x2048xf32, #tpu.memory_space<vmem>>
        %dma_start3A_257 = arith.constant 0 : i32
        %dma_start3A_258 = tpu.memref_slice %arg3[%add3A_232, %dma_start3A_257] : memref<8192x2048xf32, #tpu.memory_space<hbm>> -> memref<8x2048xf32, #tpu.memory_space<hbm>>
        tpu.enqueue_dma source(%dma_start3A_258 : memref<8x2048xf32, #tpu.memory_space<hbm>>) target(%dma_start3A_256 : memref<8x2048xf32, #tpu.memory_space<vmem>>) target_semaphore(%arg10 : memref<!tpu.dma_semaphore, #tpu.memory_space<semaphore_mem>>)
        %mul3A_259 = arith.constant 16384 : i32
        %mul3A_260 = arith.muli %add3A_229, %mul3A_259 : i32
        %add3A_261 = arith.addi %mul3A_6, %mul3A_260 : i32
        %dma_start3A_262 = arith.constant 0 : i32
        %dma_start3A_263 = arith.constant 0 : i32
        %dma_start3A_264 = tpu.memref_slice %arg8[%dma_start3A_262, %dma_start3A_263] : memref<2x16384xi32, #tpu.memory_space<vmem>> -> memref<1x16384xi32, #tpu.memory_space<vmem>>
        %dma_start3A_265 = tpu.memref_squeeze %dma_start3A_264 : memref<1x16384xi32, #tpu.memory_space<vmem>> -> memref<16384xi32, #tpu.memory_space<vmem>>
        %dma_start3A_266 = tpu.memref_slice %arg4[%add3A_261] : memref<5242880xi32, #tpu.memory_space<hbm>> -> memref<16384xi32, #tpu.memory_space<hbm>>
        %dma_start3A_267 = arith.constant 0 : i32
        %dma_start3A_268 = tpu.memref_slice %arg8[%dma_start3A_262, %dma_start3A_267] : memref<2x16384xi32, #tpu.memory_space<vmem>> -> memref<1x16384xi32, #tpu.memory_space<vmem>>
        %dma_start3A_269 = tpu.memref_squeeze %dma_start3A_268 : memref<1x16384xi32, #tpu.memory_space<vmem>> -> memref<16384xi32, #tpu.memory_space<vmem>>
        %dma_start3A_270 = tpu.memref_slice %arg4[%add3A_261] : memref<5242880xi32, #tpu.memory_space<hbm>> -> memref<16384xi32, #tpu.memory_space<hbm>>
        tpu.enqueue_dma source(%dma_start3A_270 : memref<16384xi32, #tpu.memory_space<hbm>>) target(%dma_start3A_269 : memref<16384xi32, #tpu.memory_space<vmem>>) target_semaphore(%arg10 : memref<!tpu.dma_semaphore, #tpu.memory_space<semaphore_mem>>)
      } else {
      }
      %dma_wait3A_174 = arith.constant 1 : i32
      %dma_wait3A_175 = arith.constant 0 : i32
      %dma_wait3A_176 = arith.constant 0 : i32
      %dma_wait3A_177 = tpu.memref_slice %arg6[%dma_wait3A_174, %dma_wait3A_175, %dma_wait3A_176] : memref<2x8x2048xf32, #tpu.memory_space<vmem>> -> memref<1x8x2048xf32, #tpu.memory_space<vmem>>
      %dma_wait3A_178 = tpu.memref_squeeze %dma_wait3A_177 : memref<1x8x2048xf32, #tpu.memory_space<vmem>> -> memref<8x2048xf32, #tpu.memory_space<vmem>>
      %dma_wait3A_179 = arith.constant 0 : i32
      %dma_wait3A_180 = arith.constant 0 : i32
      %dma_wait3A_181 = tpu.memref_slice %arg2[%dma_wait3A_179, %dma_wait3A_180] : memref<8192x2048xf32, #tpu.memory_space<hbm>> -> memref<8x2048xf32, #tpu.memory_space<hbm>>
      %dma_wait3A_182 = arith.constant 0 : i32
      %dma_wait3A_183 = arith.constant 0 : i32
      %dma_wait3A_184 = tpu.memref_slice %arg6[%dma_wait3A_174, %dma_wait3A_182, %dma_wait3A_183] : memref<2x8x2048xf32, #tpu.memory_space<vmem>> -> memref<1x8x2048xf32, #tpu.memory_space<vmem>>
      %dma_wait3A_185 = tpu.memref_squeeze %dma_wait3A_184 : memref<1x8x2048xf32, #tpu.memory_space<vmem>> -> memref<8x2048xf32, #tpu.memory_space<vmem>>
      %dma_wait3A_186 = arith.constant 0 : i32
      %dma_wait3A_187 = arith.constant 0 : i32
      %dma_wait3A_188 = tpu.memref_slice %arg2[%dma_wait3A_186, %dma_wait3A_187] : memref<8192x2048xf32, #tpu.memory_space<hbm>> -> memref<8x2048xf32, #tpu.memory_space<hbm>>
      tpu.wait_dma2 semaphore(%arg11 : memref<!tpu.dma_semaphore, #tpu.memory_space<semaphore_mem>>) src(%dma_wait3A_188 : memref<8x2048xf32, #tpu.memory_space<hbm>>) dst(%dma_wait3A_185 : memref<8x2048xf32, #tpu.memory_space<vmem>>)
      %dma_wait3A_189 = arith.constant 1 : i32
      %dma_wait3A_190 = arith.constant 0 : i32
      %dma_wait3A_191 = arith.constant 0 : i32
      %dma_wait3A_192 = tpu.memref_slice %arg7[%dma_wait3A_189, %dma_wait3A_190, %dma_wait3A_191] : memref<2x8x2048xf32, #tpu.memory_space<vmem>> -> memref<1x8x2048xf32, #tpu.memory_space<vmem>>
      %dma_wait3A_193 = tpu.memref_squeeze %dma_wait3A_192 : memref<1x8x2048xf32, #tpu.memory_space<vmem>> -> memref<8x2048xf32, #tpu.memory_space<vmem>>
      %dma_wait3A_194 = arith.constant 0 : i32
      %dma_wait3A_195 = arith.constant 0 : i32
      %dma_wait3A_196 = tpu.memref_slice %arg3[%dma_wait3A_194, %dma_wait3A_195] : memref<8192x2048xf32, #tpu.memory_space<hbm>> -> memref<8x2048xf32, #tpu.memory_space<hbm>>
      %dma_wait3A_197 = arith.constant 0 : i32
      %dma_wait3A_198 = arith.constant 0 : i32
      %dma_wait3A_199 = tpu.memref_slice %arg7[%dma_wait3A_189, %dma_wait3A_197, %dma_wait3A_198] : memref<2x8x2048xf32, #tpu.memory_space<vmem>> -> memref<1x8x2048xf32, #tpu.memory_space<vmem>>
      %dma_wait3A_200 = tpu.memref_squeeze %dma_wait3A_199 : memref<1x8x2048xf32, #tpu.memory_space<vmem>> -> memref<8x2048xf32, #tpu.memory_space<vmem>>
      %dma_wait3A_201 = arith.constant 0 : i32
      %dma_wait3A_202 = arith.constant 0 : i32
      %dma_wait3A_203 = tpu.memref_slice %arg3[%dma_wait3A_201, %dma_wait3A_202] : memref<8192x2048xf32, #tpu.memory_space<hbm>> -> memref<8x2048xf32, #tpu.memory_space<hbm>>
      tpu.wait_dma2 semaphore(%arg11 : memref<!tpu.dma_semaphore, #tpu.memory_space<semaphore_mem>>) src(%dma_wait3A_203 : memref<8x2048xf32, #tpu.memory_space<hbm>>) dst(%dma_wait3A_200 : memref<8x2048xf32, #tpu.memory_space<vmem>>)
      %dma_wait3A_204 = arith.constant 1 : i32
      %dma_wait3A_205 = arith.constant 0 : i32
      %dma_wait3A_206 = tpu.memref_slice %arg8[%dma_wait3A_204, %dma_wait3A_205] : memref<2x16384xi32, #tpu.memory_space<vmem>> -> memref<1x16384xi32, #tpu.memory_space<vmem>>
      %dma_wait3A_207 = tpu.memref_squeeze %dma_wait3A_206 : memref<1x16384xi32, #tpu.memory_space<vmem>> -> memref<16384xi32, #tpu.memory_space<vmem>>
      %dma_wait3A_208 = arith.constant 0 : i32
      %dma_wait3A_209 = tpu.memref_slice %arg4[%dma_wait3A_208] : memref<5242880xi32, #tpu.memory_space<hbm>> -> memref<16384xi32, #tpu.memory_space<hbm>>
      %dma_wait3A_210 = arith.constant 0 : i32
      %dma_wait3A_211 = tpu.memref_slice %arg8[%dma_wait3A_204, %dma_wait3A_210] : memref<2x16384xi32, #tpu.memory_space<vmem>> -> memref<1x16384xi32, #tpu.memory_space<vmem>>
      %dma_wait3A_212 = tpu.memref_squeeze %dma_wait3A_211 : memref<1x16384xi32, #tpu.memory_space<vmem>> -> memref<16384xi32, #tpu.memory_space<vmem>>
      %dma_wait3A_213 = arith.constant 0 : i32
      %dma_wait3A_214 = tpu.memref_slice %arg4[%dma_wait3A_213] : memref<5242880xi32, #tpu.memory_space<hbm>> -> memref<16384xi32, #tpu.memory_space<hbm>>
      tpu.wait_dma2 semaphore(%arg11 : memref<!tpu.dma_semaphore, #tpu.memory_space<semaphore_mem>>) src(%dma_wait3A_214 : memref<16384xi32, #tpu.memory_space<hbm>>) dst(%dma_wait3A_212 : memref<16384xi32, #tpu.memory_space<vmem>>)
      %scan3A_215 = arith.constant 0 : i32
      %scan3A_216 = arith.constant 256 : i32
      %scan3A_217 = arith.addi %scan3A_215, %scan3A_216 : i32
      %scan3A_218 = arith.constant 1 : i32
      %scan3A_219:4 = scf.for %scan3A_228 = %scan3A_215 to %scan3A_217 step %scan3A_218 iter_args(%scan3A_229 = %scan3A_167#0, %scan3A_230 = %scan3A_167#1, %scan3A_231 = %scan3A_167#2, %scan3A_232 = %scan3A_167#3) -> (vector<16xf32>, vector<16xf32>, vector<16xi32>, vector<16xi32>)  : i32 {
        %mul3A_233 = arith.constant 4 : i32
        %mul3A_234 = arith.muli %scan3A_228, %mul3A_233 : i32
        %add3A_235 = arith.constant 0 : i32
        %add3A_236 = arith.addi %mul3A_234, %add3A_235 : i32
        %shift_right_arithmetic3A = arith.constant 7 : i32
        %shift_right_arithmetic3A_237 = arith.shrsi %add3A_236, %shift_right_arithmetic3A : i32
        %and3A = arith.constant 127 : i32
        %and3A_238 = arith.andi %add3A_236, %and3A : i32
        %mul3A_239 = arith.constant 16 : i32
        %mul3A_240 = arith.muli %and3A_238, %mul3A_239 : i32
        %get3A = arith.constant 1 : i32
        %get3A_241 = arith.index_cast %get3A : i32 to index
        %get3A_242 = arith.index_cast %shift_right_arithmetic3A_237 : i32 to index
        %get3A_243 = arith.index_cast %mul3A_240 : i32 to index
        %get3A_244 = tpu.vector_load %arg6[%get3A_241, %get3A_242, %get3A_243] {strides = array<i32>} : memref<2x8x2048xf32, #tpu.memory_space<vmem>>, vector<1x1x16xf32>,
        %get3A_245 = vector.shape_cast %get3A_244 : vector<1x1x16xf32> to vector<16xf32>
        %get3A_246 = arith.constant 1 : i32
        %get3A_247 = arith.index_cast %get3A_246 : i32 to index
        %get3A_248 = arith.index_cast %shift_right_arithmetic3A_237 : i32 to index
        %get3A_249 = arith.index_cast %mul3A_240 : i32 to index
        %get3A_250 = tpu.vector_load %arg7[%get3A_247, %get3A_248, %get3A_249] {strides = array<i32>} : memref<2x8x2048xf32, #tpu.memory_space<vmem>>, vector<1x1x16xf32>,
        %get3A_251 = vector.shape_cast %get3A_250 : vector<1x1x16xf32> to vector<16xf32>
        %mul3A_252 = arith.constant 16 : i32
        %mul3A_253 = arith.muli %add3A_236, %mul3A_252 : i32
        %get3A_254 = arith.constant 1 : i32
        %get3A_255 = arith.index_cast %get3A_254 : i32 to index
        %get3A_256 = arith.index_cast %mul3A_253 : i32 to index
        %get3A_257 = tpu.vector_load %arg8[%get3A_255, %get3A_256] {strides = array<i32>} : memref<2x16384xi32, #tpu.memory_space<vmem>>, vector<1x16xi32>,
        %get3A_258 = vector.shape_cast %get3A_257 : vector<1x16xi32> to vector<16xi32>
        %and3A_259 = arith.constant 1 : i32
        %and3A_260 = vector.broadcast %and3A_259 : i32 to vector<16xi32>
        %and3A_261 = arith.andi %get3A_258, %and3A_260 : vector<16xi32>
        %shift_right_arithmetic3A_262 = arith.constant 1 : i32
        %shift_right_arithmetic3A_263 = vector.broadcast %shift_right_arithmetic3A_262 : i32 to vector<16xi32>
        %shift_right_arithmetic3A_264 = arith.shrsi %get3A_258, %shift_right_arithmetic3A_263 : vector<16xi32>
        %sub3A = arith.subf %get3A_245, %get3A_251 : vector<16xf32>
        %abs3A = math.absf %sub3A : vector<16xf32>
        %convert_element_type3A_265 = arith.sitofp %and3A_261 : vector<16xi32> to vector<16xf32>
        %mul3A_266 = arith.mulf %abs3A, %convert_element_type3A_265 : vector<16xf32>
        %add3A_267 = arith.addf %scan3A_229, %mul3A_266 : vector<16xf32>
        %convert_element_type3A_268 = arith.sitofp %shift_right_arithmetic3A_264 : vector<16xi32> to vector<16xf32>
        %mul3A_269 = arith.mulf %abs3A, %convert_element_type3A_268 : vector<16xf32>
        %add3A_270 = arith.addf %scan3A_230, %mul3A_269 : vector<16xf32>
        %add3A_271 = arith.addi %scan3A_231, %and3A_261 : vector<16xi32>
        %add3A_272 = arith.addi %scan3A_232, %shift_right_arithmetic3A_264 : vector<16xi32>
        %mul3A_273 = arith.constant 4 : i32
        %mul3A_274 = arith.muli %scan3A_228, %mul3A_273 : i32
        %add3A_275 = arith.constant 1 : i32
        %add3A_276 = arith.addi %mul3A_274, %add3A_275 : i32
        %shift_right_arithmetic3A_277 = arith.constant 7 : i32
        %shift_right_arithmetic3A_278 = arith.shrsi %add3A_276, %shift_right_arithmetic3A_277 : i32
        %and3A_279 = arith.constant 127 : i32
        %and3A_280 = arith.andi %add3A_276, %and3A_279 : i32
        %mul3A_281 = arith.constant 16 : i32
        %mul3A_282 = arith.muli %and3A_280, %mul3A_281 : i32
        %get3A_283 = arith.constant 1 : i32
        %get3A_284 = arith.index_cast %get3A_283 : i32 to index
        %get3A_285 = arith.index_cast %shift_right_arithmetic3A_278 : i32 to index
        %get3A_286 = arith.index_cast %mul3A_282 : i32 to index
        %get3A_287 = tpu.vector_load %arg6[%get3A_284, %get3A_285, %get3A_286] {strides = array<i32>} : memref<2x8x2048xf32, #tpu.memory_space<vmem>>, vector<1x1x16xf32>,
        %get3A_288 = vector.shape_cast %get3A_287 : vector<1x1x16xf32> to vector<16xf32>
        %get3A_289 = arith.constant 1 : i32
        %get3A_290 = arith.index_cast %get3A_289 : i32 to index
        %get3A_291 = arith.index_cast %shift_right_arithmetic3A_278 : i32 to index
        %get3A_292 = arith.index_cast %mul3A_282 : i32 to index
        %get3A_293 = tpu.vector_load %arg7[%get3A_290, %get3A_291, %get3A_292] {strides = array<i32>} : memref<2x8x2048xf32, #tpu.memory_space<vmem>>, vector<1x1x16xf32>,
        %get3A_294 = vector.shape_cast %get3A_293 : vector<1x1x16xf32> to vector<16xf32>
        %mul3A_295 = arith.constant 16 : i32
        %mul3A_296 = arith.muli %add3A_276, %mul3A_295 : i32
        %get3A_297 = arith.constant 1 : i32
        %get3A_298 = arith.index_cast %get3A_297 : i32 to index
        %get3A_299 = arith.index_cast %mul3A_296 : i32 to index
        %get3A_300 = tpu.vector_load %arg8[%get3A_298, %get3A_299] {strides = array<i32>} : memref<2x16384xi32, #tpu.memory_space<vmem>>, vector<1x16xi32>,
        %get3A_301 = vector.shape_cast %get3A_300 : vector<1x16xi32> to vector<16xi32>
        %and3A_302 = arith.constant 1 : i32
        %and3A_303 = vector.broadcast %and3A_302 : i32 to vector<16xi32>
        %and3A_304 = arith.andi %get3A_301, %and3A_303 : vector<16xi32>
        %shift_right_arithmetic3A_305 = arith.constant 1 : i32
        %shift_right_arithmetic3A_306 = vector.broadcast %shift_right_arithmetic3A_305 : i32 to vector<16xi32>
        %shift_right_arithmetic3A_307 = arith.shrsi %get3A_301, %shift_right_arithmetic3A_306 : vector<16xi32>
        %sub3A_308 = arith.subf %get3A_288, %get3A_294 : vector<16xf32>
        %abs3A_309 = math.absf %sub3A_308 : vector<16xf32>
        %convert_element_type3A_310 = arith.sitofp %and3A_304 : vector<16xi32> to vector<16xf32>
        %mul3A_311 = arith.mulf %abs3A_309, %convert_element_type3A_310 : vector<16xf32>
        %add3A_312 = arith.addf %add3A_267, %mul3A_311 : vector<16xf32>
        %convert_element_type3A_313 = arith.sitofp %shift_right_arithmetic3A_307 : vector<16xi32> to vector<16xf32>
        %mul3A_314 = arith.mulf %abs3A_309, %convert_element_type3A_313 : vector<16xf32>
        %add3A_315 = arith.addf %add3A_270, %mul3A_314 : vector<16xf32>
        %add3A_316 = arith.addi %add3A_271, %and3A_304 : vector<16xi32>
        %add3A_317 = arith.addi %add3A_272, %shift_right_arithmetic3A_307 : vector<16xi32>
        %mul3A_318 = arith.constant 4 : i32
        %mul3A_319 = arith.muli %scan3A_228, %mul3A_318 : i32
        %add3A_320 = arith.constant 2 : i32
        %add3A_321 = arith.addi %mul3A_319, %add3A_320 : i32
        %shift_right_arithmetic3A_322 = arith.constant 7 : i32
        %shift_right_arithmetic3A_323 = arith.shrsi %add3A_321, %shift_right_arithmetic3A_322 : i32
        %and3A_324 = arith.constant 127 : i32
        %and3A_325 = arith.andi %add3A_321, %and3A_324 : i32
        %mul3A_326 = arith.constant 16 : i32
        %mul3A_327 = arith.muli %and3A_325, %mul3A_326 : i32
        %get3A_328 = arith.constant 1 : i32
        %get3A_329 = arith.index_cast %get3A_328 : i32 to index
        %get3A_330 = arith.index_cast %shift_right_arithmetic3A_323 : i32 to index
        %get3A_331 = arith.index_cast %mul3A_327 : i32 to index
        %get3A_332 = tpu.vector_load %arg6[%get3A_329, %get3A_330, %get3A_331] {strides = array<i32>} : memref<2x8x2048xf32, #tpu.memory_space<vmem>>, vector<1x1x16xf32>,
        %get3A_333 = vector.shape_cast %get3A_332 : vector<1x1x16xf32> to vector<16xf32>
        %get3A_334 = arith.constant 1 : i32
        %get3A_335 = arith.index_cast %get3A_334 : i32 to index
        %get3A_336 = arith.index_cast %shift_right_arithmetic3A_323 : i32 to index
        %get3A_337 = arith.index_cast %mul3A_327 : i32 to index
        %get3A_338 = tpu.vector_load %arg7[%get3A_335, %get3A_336, %get3A_337] {strides = array<i32>} : memref<2x8x2048xf32, #tpu.memory_space<vmem>>, vector<1x1x16xf32>,
        %get3A_339 = vector.shape_cast %get3A_338 : vector<1x1x16xf32> to vector<16xf32>
        %mul3A_340 = arith.constant 16 : i32
        %mul3A_341 = arith.muli %add3A_321, %mul3A_340 : i32
        %get3A_342 = arith.constant 1 : i32
        %get3A_343 = arith.index_cast %get3A_342 : i32 to index
        %get3A_344 = arith.index_cast %mul3A_341 : i32 to index
        %get3A_345 = tpu.vector_load %arg8[%get3A_343, %get3A_344] {strides = array<i32>} : memref<2x16384xi32, #tpu.memory_space<vmem>>, vector<1x16xi32>,
        %get3A_346 = vector.shape_cast %get3A_345 : vector<1x16xi32> to vector<16xi32>
        %and3A_347 = arith.constant 1 : i32
        %and3A_348 = vector.broadcast %and3A_347 : i32 to vector<16xi32>
        %and3A_349 = arith.andi %get3A_346, %and3A_348 : vector<16xi32>
        %shift_right_arithmetic3A_350 = arith.constant 1 : i32
        %shift_right_arithmetic3A_351 = vector.broadcast %shift_right_arithmetic3A_350 : i32 to vector<16xi32>
        %shift_right_arithmetic3A_352 = arith.shrsi %get3A_346, %shift_right_arithmetic3A_351 : vector<16xi32>
        %sub3A_353 = arith.subf %get3A_333, %get3A_339 : vector<16xf32>
        %abs3A_354 = math.absf %sub3A_353 : vector<16xf32>
        %convert_element_type3A_355 = arith.sitofp %and3A_349 : vector<16xi32> to vector<16xf32>
        %mul3A_356 = arith.mulf %abs3A_354, %convert_element_type3A_355 : vector<16xf32>
        %add3A_357 = arith.addf %add3A_312, %mul3A_356 : vector<16xf32>
        %convert_element_type3A_358 = arith.sitofp %shift_right_arithmetic3A_352 : vector<16xi32> to vector<16xf32>
        %mul3A_359 = arith.mulf %abs3A_354, %convert_element_type3A_358 : vector<16xf32>
        %add3A_360 = arith.addf %add3A_315, %mul3A_359 : vector<16xf32>
        %add3A_361 = arith.addi %add3A_316, %and3A_349 : vector<16xi32>
        %add3A_362 = arith.addi %add3A_317, %shift_right_arithmetic3A_352 : vector<16xi32>
        %mul3A_363 = arith.constant 4 : i32
        %mul3A_364 = arith.muli %scan3A_228, %mul3A_363 : i32
        %add3A_365 = arith.constant 3 : i32
        %add3A_366 = arith.addi %mul3A_364, %add3A_365 : i32
        %shift_right_arithmetic3A_367 = arith.constant 7 : i32
        %shift_right_arithmetic3A_368 = arith.shrsi %add3A_366, %shift_right_arithmetic3A_367 : i32
        %and3A_369 = arith.constant 127 : i32
        %and3A_370 = arith.andi %add3A_366, %and3A_369 : i32
        %mul3A_371 = arith.constant 16 : i32
        %mul3A_372 = arith.muli %and3A_370, %mul3A_371 : i32
        %get3A_373 = arith.constant 1 : i32
        %get3A_374 = arith.index_cast %get3A_373 : i32 to index
        %get3A_375 = arith.index_cast %shift_right_arithmetic3A_368 : i32 to index
        %get3A_376 = arith.index_cast %mul3A_372 : i32 to index
        %get3A_377 = tpu.vector_load %arg6[%get3A_374, %get3A_375, %get3A_376] {strides = array<i32>} : memref<2x8x2048xf32, #tpu.memory_space<vmem>>, vector<1x1x16xf32>,
        %get3A_378 = vector.shape_cast %get3A_377 : vector<1x1x16xf32> to vector<16xf32>
        %get3A_379 = arith.constant 1 : i32
        %get3A_380 = arith.index_cast %get3A_379 : i32 to index
        %get3A_381 = arith.index_cast %shift_right_arithmetic3A_368 : i32 to index
        %get3A_382 = arith.index_cast %mul3A_372 : i32 to index
        %get3A_383 = tpu.vector_load %arg7[%get3A_380, %get3A_381, %get3A_382] {strides = array<i32>} : memref<2x8x2048xf32, #tpu.memory_space<vmem>>, vector<1x1x16xf32>,
        %get3A_384 = vector.shape_cast %get3A_383 : vector<1x1x16xf32> to vector<16xf32>
        %mul3A_385 = arith.constant 16 : i32
        %mul3A_386 = arith.muli %add3A_366, %mul3A_385 : i32
        %get3A_387 = arith.constant 1 : i32
        %get3A_388 = arith.index_cast %get3A_387 : i32 to index
        %get3A_389 = arith.index_cast %mul3A_386 : i32 to index
        %get3A_390 = tpu.vector_load %arg8[%get3A_388, %get3A_389] {strides = array<i32>} : memref<2x16384xi32, #tpu.memory_space<vmem>>, vector<1x16xi32>,
        %get3A_391 = vector.shape_cast %get3A_390 : vector<1x16xi32> to vector<16xi32>
        %and3A_392 = arith.constant 1 : i32
        %and3A_393 = vector.broadcast %and3A_392 : i32 to vector<16xi32>
        %and3A_394 = arith.andi %get3A_391, %and3A_393 : vector<16xi32>
        %shift_right_arithmetic3A_395 = arith.constant 1 : i32
        %shift_right_arithmetic3A_396 = vector.broadcast %shift_right_arithmetic3A_395 : i32 to vector<16xi32>
        %shift_right_arithmetic3A_397 = arith.shrsi %get3A_391, %shift_right_arithmetic3A_396 : vector<16xi32>
        %sub3A_398 = arith.subf %get3A_378, %get3A_384 : vector<16xf32>
        %abs3A_399 = math.absf %sub3A_398 : vector<16xf32>
        %convert_element_type3A_400 = arith.sitofp %and3A_394 : vector<16xi32> to vector<16xf32>
        %mul3A_401 = arith.mulf %abs3A_399, %convert_element_type3A_400 : vector<16xf32>
        %add3A_402 = arith.addf %add3A_357, %mul3A_401 : vector<16xf32>
        %convert_element_type3A_403 = arith.sitofp %shift_right_arithmetic3A_397 : vector<16xi32> to vector<16xf32>
        %mul3A_404 = arith.mulf %abs3A_399, %convert_element_type3A_403 : vector<16xf32>
        %add3A_405 = arith.addf %add3A_360, %mul3A_404 : vector<16xf32>
        %add3A_406 = arith.addi %add3A_361, %and3A_394 : vector<16xi32>
        %add3A_407 = arith.addi %add3A_362, %shift_right_arithmetic3A_397 : vector<16xi32>
        scf.yield %add3A_402, %add3A_405, %add3A_406, %add3A_407 : vector<16xf32>, vector<16xf32>, vector<16xi32>, vector<16xi32>
      }
      %scan3A_220 = arith.constant 256 : i32
      %add3A_221 = arith.constant 3 : i32
      %add3A_222 = arith.addi %mul3A_122, %add3A_221 : i32
      %lt3A_223 = arith.constant 10 : i32
      %lt3A_224 = arith.cmpi slt, %add3A_222, %lt3A_223 : i32
      %convert_element_type3A_225 = arith.extui %lt3A_224 : i1 to i32
      %cond3A_226 = arith.constant 0 : i32
      %cond3A_227 = arith.cmpi ne, %convert_element_type3A_225, %cond3A_226 : i32
      scf.if %cond3A_227 {
        %add3A_228 = arith.constant 3 : i32
        %add3A_229 = arith.addi %mul3A_122, %add3A_228 : i32
        %mul3A_230 = arith.constant 8 : i32
        %mul3A_231 = arith.muli %add3A_229, %mul3A_230 : i32
        %add3A_232 = arith.addi %add3A_4, %mul3A_231 : i32
        %dma_start3A_233 = arith.constant 1 : i32
        %dma_start3A_234 = arith.constant 0 : i32
        %dma_start3A_235 = arith.constant 0 : i32
        %dma_start3A_236 = tpu.memref_slice %arg6[%dma_start3A_233, %dma_start3A_234, %dma_start3A_235] : memref<2x8x2048xf32, #tpu.memory_space<vmem>> -> memref<1x8x2048xf32, #tpu.memory_space<vmem>>
        %dma_start3A_237 = tpu.memref_squeeze %dma_start3A_236 : memref<1x8x2048xf32, #tpu.memory_space<vmem>> -> memref<8x2048xf32, #tpu.memory_space<vmem>>
        %dma_start3A_238 = arith.constant 0 : i32
        %dma_start3A_239 = tpu.memref_slice %arg2[%add3A_232, %dma_start3A_238] : memref<8192x2048xf32, #tpu.memory_space<hbm>> -> memref<8x2048xf32, #tpu.memory_space<hbm>>
        %dma_start3A_240 = arith.constant 0 : i32
        %dma_start3A_241 = arith.constant 0 : i32
        %dma_start3A_242 = tpu.memref_slice %arg6[%dma_start3A_233, %dma_start3A_240, %dma_start3A_241] : memref<2x8x2048xf32, #tpu.memory_space<vmem>> -> memref<1x8x2048xf32, #tpu.memory_space<vmem>>
        %dma_start3A_243 = tpu.memref_squeeze %dma_start3A_242 : memref<1x8x2048xf32, #tpu.memory_space<vmem>> -> memref<8x2048xf32, #tpu.memory_space<vmem>>
        %dma_start3A_244 = arith.constant 0 : i32
        %dma_start3A_245 = tpu.memref_slice %arg2[%add3A_232, %dma_start3A_244] : memref<8192x2048xf32, #tpu.memory_space<hbm>> -> memref<8x2048xf32, #tpu.memory_space<hbm>>
        tpu.enqueue_dma source(%dma_start3A_245 : memref<8x2048xf32, #tpu.memory_space<hbm>>) target(%dma_start3A_243 : memref<8x2048xf32, #tpu.memory_space<vmem>>) target_semaphore(%arg11 : memref<!tpu.dma_semaphore, #tpu.memory_space<semaphore_mem>>)
        %dma_start3A_246 = arith.constant 1 : i32
        %dma_start3A_247 = arith.constant 0 : i32
        %dma_start3A_248 = arith.constant 0 : i32
        %dma_start3A_249 = tpu.memref_slice %arg7[%dma_start3A_246, %dma_start3A_247, %dma_start3A_248] : memref<2x8x2048xf32, #tpu.memory_space<vmem>> -> memref<1x8x2048xf32, #tpu.memory_space<vmem>>
        %dma_start3A_250 = tpu.memref_squeeze %dma_start3A_249 : memref<1x8x2048xf32, #tpu.memory_space<vmem>> -> memref<8x2048xf32, #tpu.memory_space<vmem>>
        %dma_start3A_251 = arith.constant 0 : i32
        %dma_start3A_252 = tpu.memref_slice %arg3[%add3A_232, %dma_start3A_251] : memref<8192x2048xf32, #tpu.memory_space<hbm>> -> memref<8x2048xf32, #tpu.memory_space<hbm>>
        %dma_start3A_253 = arith.constant 0 : i32
        %dma_start3A_254 = arith.constant 0 : i32
        %dma_start3A_255 = tpu.memref_slice %arg7[%dma_start3A_246, %dma_start3A_253, %dma_start3A_254] : memref<2x8x2048xf32, #tpu.memory_space<vmem>> -> memref<1x8x2048xf32, #tpu.memory_space<vmem>>
        %dma_start3A_256 = tpu.memref_squeeze %dma_start3A_255 : memref<1x8x2048xf32, #tpu.memory_space<vmem>> -> memref<8x2048xf32, #tpu.memory_space<vmem>>
        %dma_start3A_257 = arith.constant 0 : i32
        %dma_start3A_258 = tpu.memref_slice %arg3[%add3A_232, %dma_start3A_257] : memref<8192x2048xf32, #tpu.memory_space<hbm>> -> memref<8x2048xf32, #tpu.memory_space<hbm>>
        tpu.enqueue_dma source(%dma_start3A_258 : memref<8x2048xf32, #tpu.memory_space<hbm>>) target(%dma_start3A_256 : memref<8x2048xf32, #tpu.memory_space<vmem>>) target_semaphore(%arg11 : memref<!tpu.dma_semaphore, #tpu.memory_space<semaphore_mem>>)
        %mul3A_259 = arith.constant 16384 : i32
        %mul3A_260 = arith.muli %add3A_229, %mul3A_259 : i32
        %add3A_261 = arith.addi %mul3A_6, %mul3A_260 : i32
        %dma_start3A_262 = arith.constant 1 : i32
        %dma_start3A_263 = arith.constant 0 : i32
        %dma_start3A_264 = tpu.memref_slice %arg8[%dma_start3A_262, %dma_start3A_263] : memref<2x16384xi32, #tpu.memory_space<vmem>> -> memref<1x16384xi32, #tpu.memory_space<vmem>>
        %dma_start3A_265 = tpu.memref_squeeze %dma_start3A_264 : memref<1x16384xi32, #tpu.memory_space<vmem>> -> memref<16384xi32, #tpu.memory_space<vmem>>
        %dma_start3A_266 = tpu.memref_slice %arg4[%add3A_261] : memref<5242880xi32, #tpu.memory_space<hbm>> -> memref<16384xi32, #tpu.memory_space<hbm>>
        %dma_start3A_267 = arith.constant 0 : i32
        %dma_start3A_268 = tpu.memref_slice %arg8[%dma_start3A_262, %dma_start3A_267] : memref<2x16384xi32, #tpu.memory_space<vmem>> -> memref<1x16384xi32, #tpu.memory_space<vmem>>
        %dma_start3A_269 = tpu.memref_squeeze %dma_start3A_268 : memref<1x16384xi32, #tpu.memory_space<vmem>> -> memref<16384xi32, #tpu.memory_space<vmem>>
        %dma_start3A_270 = tpu.memref_slice %arg4[%add3A_261] : memref<5242880xi32, #tpu.memory_space<hbm>> -> memref<16384xi32, #tpu.memory_space<hbm>>
        tpu.enqueue_dma source(%dma_start3A_270 : memref<16384xi32, #tpu.memory_space<hbm>>) target(%dma_start3A_269 : memref<16384xi32, #tpu.memory_space<vmem>>) target_semaphore(%arg11 : memref<!tpu.dma_semaphore, #tpu.memory_space<semaphore_mem>>)
      } else {
      }
      scf.yield %scan3A_219#0, %scan3A_219#1, %scan3A_219#2, %scan3A_219#3 : vector<16xf32>, vector<16xf32>, vector<16xi32>, vector<16xi32>
    }
    %scan3A_91 = arith.constant 5 : i32
    %swap3A = arith.constant 0 : i32
    %swap3A_92 = arith.index_cast %swap3A : i32 to index
    %swap3A_93 = arith.constant 0 : index
    %swap3A_94 = tpu.vector_load %arg9[%swap3A_92, %swap3A_93] {strides = array<i32>} : memref<4x16xf32, #tpu.memory_space<vmem>>, vector<1x16xf32>,
    %swap3A_95 = vector.shape_cast %swap3A_94 : vector<1x16xf32> to vector<16xf32>
    %swap3A_96 = vector.shape_cast %scan3A_90#0 : vector<16xf32> to vector<1x16xf32>
    tpu.vector_store %arg9[%swap3A_92, %swap3A_93], %swap3A_96 {strides = array<i32>} : memref<4x16xf32, #tpu.memory_space<vmem>>, vector<1x16xf32>,
    %convert_element_type3A = arith.sitofp %scan3A_90#2 : vector<16xi32> to vector<16xf32>
    %swap3A_97 = arith.constant 1 : i32
    %swap3A_98 = arith.index_cast %swap3A_97 : i32 to index
    %swap3A_99 = arith.constant 0 : index
    %swap3A_100 = tpu.vector_load %arg9[%swap3A_98, %swap3A_99] {strides = array<i32>} : memref<4x16xf32, #tpu.memory_space<vmem>>, vector<1x16xf32>,
    %swap3A_101 = vector.shape_cast %swap3A_100 : vector<1x16xf32> to vector<16xf32>
    %swap3A_102 = vector.shape_cast %convert_element_type3A : vector<16xf32> to vector<1x16xf32>
    tpu.vector_store %arg9[%swap3A_98, %swap3A_99], %swap3A_102 {strides = array<i32>} : memref<4x16xf32, #tpu.memory_space<vmem>>, vector<1x16xf32>,
    %swap3A_103 = arith.constant 2 : i32
    %swap3A_104 = arith.index_cast %swap3A_103 : i32 to index
    %swap3A_105 = arith.constant 0 : index
    %swap3A_106 = tpu.vector_load %arg9[%swap3A_104, %swap3A_105] {strides = array<i32>} : memref<4x16xf32, #tpu.memory_space<vmem>>, vector<1x16xf32>,
    %swap3A_107 = vector.shape_cast %swap3A_106 : vector<1x16xf32> to vector<16xf32>
    %swap3A_108 = vector.shape_cast %scan3A_90#1 : vector<16xf32> to vector<1x16xf32>
    tpu.vector_store %arg9[%swap3A_104, %swap3A_105], %swap3A_108 {strides = array<i32>} : memref<4x16xf32, #tpu.memory_space<vmem>>, vector<1x16xf32>,
    %convert_element_type3A_109 = arith.sitofp %scan3A_90#3 : vector<16xi32> to vector<16xf32>
    %swap3A_110 = arith.constant 3 : i32
    %swap3A_111 = arith.index_cast %swap3A_110 : i32 to index
    %swap3A_112 = arith.constant 0 : index
    %swap3A_113 = tpu.vector_load %arg9[%swap3A_111, %swap3A_112] {strides = array<i32>} : memref<4x16xf32, #tpu.memory_space<vmem>>, vector<1x16xf32>,
    %swap3A_114 = vector.shape_cast %swap3A_113 : vector<1x16xf32> to vector<16xf32>
    %swap3A_115 = vector.shape_cast %convert_element_type3A_109 : vector<16xf32> to vector<1x16xf32>
    tpu.vector_store %arg9[%swap3A_111, %swap3A_112], %swap3A_115 {strides = array<i32>} : memref<4x16xf32, #tpu.memory_space<vmem>>, vector<1x16xf32>,
    "tpu.region"() ({
      %run_scoped3A = tpu.sem_alloc : memref<!tpu.dma_semaphore, #tpu.memory_space<semaphore_mem>>
      %dma_start3A_116 = arith.constant 0 : i32
      %dma_start3A_117 = arith.constant 0 : i32
      %dma_start3A_118 = tpu.memref_slice %arg5[%add3A, %dma_start3A_116, %dma_start3A_117] : memref<32x4x16xf32, #tpu.memory_space<hbm>> -> memref<1x4x16xf32, #tpu.memory_space<hbm>>
      %dma_start3A_119 = tpu.memref_squeeze %dma_start3A_118 : memref<1x4x16xf32, #tpu.memory_space<hbm>> -> memref<4x16xf32, #tpu.memory_space<hbm>>
      %dma_start3A_120 = arith.constant 0 : i32
      %dma_start3A_121 = arith.constant 0 : i32
      %dma_start3A_122 = tpu.memref_slice %arg5[%add3A, %dma_start3A_120, %dma_start3A_121] : memref<32x4x16xf32, #tpu.memory_space<hbm>> -> memref<1x4x16xf32, #tpu.memory_space<hbm>>
      %dma_start3A_123 = tpu.memref_squeeze %dma_start3A_122 : memref<1x4x16xf32, #tpu.memory_space<hbm>> -> memref<4x16xf32, #tpu.memory_space<hbm>>
      tpu.enqueue_dma source(%arg9 : memref<4x16xf32, #tpu.memory_space<vmem>>) target(%dma_start3A_123 : memref<4x16xf32, #tpu.memory_space<hbm>>) target_semaphore(%run_scoped3A : memref<!tpu.dma_semaphore, #tpu.memory_space<semaphore_mem>>)
      %dma_wait3A = arith.constant 0 : i32
      %dma_wait3A_124 = arith.constant 0 : i32
      %dma_wait3A_125 = tpu.memref_slice %arg5[%add3A, %dma_wait3A, %dma_wait3A_124] : memref<32x4x16xf32, #tpu.memory_space<hbm>> -> memref<1x4x16xf32, #tpu.memory_space<hbm>>
      %dma_wait3A_126 = tpu.memref_squeeze %dma_wait3A_125 : memref<1x4x16xf32, #tpu.memory_space<hbm>> -> memref<4x16xf32, #tpu.memory_space<hbm>>
      %dma_wait3A_127 = arith.constant 0 : i32
      %dma_wait3A_128 = arith.constant 0 : i32
      %dma_wait3A_129 = tpu.memref_slice %arg5[%add3A, %dma_wait3A_127, %dma_wait3A_128] : memref<32x4x16xf32, #tpu.memory_space<hbm>> -> memref<1x4x16xf32, #tpu.memory_space<hbm>>
      %dma_wait3A_130 = tpu.memref_squeeze %dma_wait3A_129 : memref<1x4x16xf32, #tpu.memory_space<hbm>> -> memref<4x16xf32, #tpu.memory_space<hbm>>
      tpu.wait_dma2 semaphore(%run_scoped3A : memref<!tpu.dma_semaphore, #tpu.memory_space<semaphore_mem>>) src(%arg9 : memref<4x16xf32, #tpu.memory_space<vmem>>) dst(%dma_wait3A_130 : memref<4x16xf32, #tpu.memory_space<hbm>>)
      tpu.yield
    }) : () -> ()
    return
  }
}

module attributes {stable_mosaic.version = 14 : i64} {
  func.func @_tc_body(%arg0: i32, %arg1: memref<512x2048xf32, #tpu.memory_space<vmem>>, %arg2: memref<512x2048xf32, #tpu.memory_space<vmem>>, %arg3: memref<512x2048xi8, #tpu.memory_space<vmem>>, %arg4: memref<4xf32, #tpu.memory_space<smem>>) attributes {dimension_semantics = [#tpu.dimension_semantics<arbitrary>], iteration_bounds = array<i64: 11>, scalar_prefetch = 0 : i64, scratch_operands = 0 : i64, tpu.core_type = #tpu.core_type<tc>, window_params = [{transform_indices = @transform_0, window_bounds = array<i64: 512, 2048>}, {transform_indices = @transform_1, window_bounds = array<i64: 512, 2048>}, {transform_indices = @transform_2, window_bounds = array<i64: 512, 2048>}, {transform_indices = @transform_3, window_bounds = array<i64: 4>}]} {
    %eq3A = arith.constant 0 : i32
    %eq3A_0 = arith.cmpi eq, %arg0, %eq3A : i32
    %convert_element_type3A = arith.extui %eq3A_0 : i1 to i32
    %cond3A = arith.constant 0 : i32
    %cond3A_1 = arith.cmpi ne, %convert_element_type3A, %cond3A : i32
    scf.if %cond3A_1 {
      %swap3A_58 = arith.constant 0.000000e+00 : f32
      %swap3A_59 = arith.constant 0 : index
      %swap3A_60 = memref.load %arg4[%swap3A_59] : memref<4xf32, #tpu.memory_space<smem>>
      memref.store %swap3A_58, %arg4[%swap3A_59] : memref<4xf32, #tpu.memory_space<smem>>
      %swap3A_61 = arith.constant 0.000000e+00 : f32
      %swap3A_62 = arith.constant 1 : index
      %swap3A_63 = memref.load %arg4[%swap3A_62] : memref<4xf32, #tpu.memory_space<smem>>
      memref.store %swap3A_61, %arg4[%swap3A_62] : memref<4xf32, #tpu.memory_space<smem>>
      %swap3A_64 = arith.constant 0.000000e+00 : f32
      %swap3A_65 = arith.constant 2 : index
      %swap3A_66 = memref.load %arg4[%swap3A_65] : memref<4xf32, #tpu.memory_space<smem>>
      memref.store %swap3A_64, %arg4[%swap3A_65] : memref<4xf32, #tpu.memory_space<smem>>
      %swap3A_67 = arith.constant 0.000000e+00 : f32
      %swap3A_68 = arith.constant 3 : index
      %swap3A_69 = memref.load %arg4[%swap3A_68] : memref<4xf32, #tpu.memory_space<smem>>
      memref.store %swap3A_67, %arg4[%swap3A_68] : memref<4xf32, #tpu.memory_space<smem>>
    } else {
    }
    %get3A = arith.constant 0 : index
    %get3A_2 = arith.constant 0 : index
    %get3A_3 = vector.load %arg1[%get3A, %get3A_2] : memref<512x2048xf32, #tpu.memory_space<vmem>>, vector<512x2048xf32>
    %get3A_4 = arith.constant 0 : index
    %get3A_5 = arith.constant 0 : index
    %get3A_6 = vector.load %arg2[%get3A_4, %get3A_5] : memref<512x2048xf32, #tpu.memory_space<vmem>>, vector<512x2048xf32>
    %sub3A = arith.subf %get3A_3, %get3A_6 : vector<512x2048xf32>
    %abs3A = math.absf %sub3A : vector<512x2048xf32>
    %get3A_7 = arith.constant 0 : index
    %get3A_8 = arith.constant 0 : index
    %get3A_9 = vector.load %arg3[%get3A_7, %get3A_8] : memref<512x2048xi8, #tpu.memory_space<vmem>>, vector<512x2048xi8>
    %convert_element_type3A_10 = arith.extsi %get3A_9 : vector<512x2048xi8> to vector<512x2048xi32>
    %and3A = arith.constant 1 : i32
    %and3A_11 = vector.broadcast %and3A : i32 to vector<512x2048xi32>
    %and3A_12 = arith.andi %convert_element_type3A_10, %and3A_11 : vector<512x2048xi32>
    %convert_element_type3A_13 = arith.sitofp %and3A_12 : vector<512x2048xi32> to vector<512x2048xf32>
    %shift_right_arithmetic3A = arith.constant 1 : i32
    %shift_right_arithmetic3A_14 = vector.broadcast %shift_right_arithmetic3A : i32 to vector<512x2048xi32>
    %shift_right_arithmetic3A_15 = arith.shrsi %convert_element_type3A_10, %shift_right_arithmetic3A_14 : vector<512x2048xi32>
    %and3A_16 = arith.constant 1 : i32
    %and3A_17 = vector.broadcast %and3A_16 : i32 to vector<512x2048xi32>
    %and3A_18 = arith.andi %shift_right_arithmetic3A_15, %and3A_17 : vector<512x2048xi32>
    %convert_element_type3A_19 = arith.sitofp %and3A_18 : vector<512x2048xi32> to vector<512x2048xf32>
    %get3A_20 = arith.constant 0 : index
    %get3A_21 = memref.load %arg4[%get3A_20] : memref<4xf32, #tpu.memory_space<smem>>
    %mul3A = arith.mulf %abs3A, %convert_element_type3A_13 : vector<512x2048xf32>
    %reduce_sum3A = vector.shape_cast %mul3A : vector<512x2048xf32> to vector<1x512x2048xf32>
    %reduce_sum3A_22 = arith.constant dense<0.000000e+00> : vector<1xf32>
    %reduce_sum3A_23 = vector.multi_reduction <add>, %reduce_sum3A, %reduce_sum3A_22 [1, 2] : vector<1x512x2048xf32> to vector<1xf32>
    %reduce_sum3A_24 = vector.shape_cast %reduce_sum3A_23 : vector<1xf32> to vector<1x1x1xf32>
    %reduce_sum3A_25 = vector.extract %reduce_sum3A_24[0, 0, 0] : f32 from vector<1x1x1xf32>
    %add3A = arith.addf %get3A_21, %reduce_sum3A_25 : f32
    %swap3A = arith.constant 0 : index
    %swap3A_26 = memref.load %arg4[%swap3A] : memref<4xf32, #tpu.memory_space<smem>>
    memref.store %add3A, %arg4[%swap3A] : memref<4xf32, #tpu.memory_space<smem>>
    %get3A_27 = arith.constant 1 : index
    %get3A_28 = memref.load %arg4[%get3A_27] : memref<4xf32, #tpu.memory_space<smem>>
    %reduce_sum3A_29 = vector.shape_cast %convert_element_type3A_13 : vector<512x2048xf32> to vector<1x512x2048xf32>
    %reduce_sum3A_30 = arith.constant dense<0.000000e+00> : vector<1xf32>
    %reduce_sum3A_31 = vector.multi_reduction <add>, %reduce_sum3A_29, %reduce_sum3A_30 [1, 2] : vector<1x512x2048xf32> to vector<1xf32>
    %reduce_sum3A_32 = vector.shape_cast %reduce_sum3A_31 : vector<1xf32> to vector<1x1x1xf32>
    %reduce_sum3A_33 = vector.extract %reduce_sum3A_32[0, 0, 0] : f32 from vector<1x1x1xf32>
    %add3A_34 = arith.addf %get3A_28, %reduce_sum3A_33 : f32
    %swap3A_35 = arith.constant 1 : index
    %swap3A_36 = memref.load %arg4[%swap3A_35] : memref<4xf32, #tpu.memory_space<smem>>
    memref.store %add3A_34, %arg4[%swap3A_35] : memref<4xf32, #tpu.memory_space<smem>>
    %get3A_37 = arith.constant 2 : index
    %get3A_38 = memref.load %arg4[%get3A_37] : memref<4xf32, #tpu.memory_space<smem>>
    %mul3A_39 = arith.mulf %abs3A, %convert_element_type3A_19 : vector<512x2048xf32>
    %reduce_sum3A_40 = vector.shape_cast %mul3A_39 : vector<512x2048xf32> to vector<1x512x2048xf32>
    %reduce_sum3A_41 = arith.constant dense<0.000000e+00> : vector<1xf32>
    %reduce_sum3A_42 = vector.multi_reduction <add>, %reduce_sum3A_40, %reduce_sum3A_41 [1, 2] : vector<1x512x2048xf32> to vector<1xf32>
    %reduce_sum3A_43 = vector.shape_cast %reduce_sum3A_42 : vector<1xf32> to vector<1x1x1xf32>
    %reduce_sum3A_44 = vector.extract %reduce_sum3A_43[0, 0, 0] : f32 from vector<1x1x1xf32>
    %add3A_45 = arith.addf %get3A_38, %reduce_sum3A_44 : f32
    %swap3A_46 = arith.constant 2 : index
    %swap3A_47 = memref.load %arg4[%swap3A_46] : memref<4xf32, #tpu.memory_space<smem>>
    memref.store %add3A_45, %arg4[%swap3A_46] : memref<4xf32, #tpu.memory_space<smem>>
    %get3A_48 = arith.constant 3 : index
    %get3A_49 = memref.load %arg4[%get3A_48] : memref<4xf32, #tpu.memory_space<smem>>
    %reduce_sum3A_50 = vector.shape_cast %convert_element_type3A_19 : vector<512x2048xf32> to vector<1x512x2048xf32>
    %reduce_sum3A_51 = arith.constant dense<0.000000e+00> : vector<1xf32>
    %reduce_sum3A_52 = vector.multi_reduction <add>, %reduce_sum3A_50, %reduce_sum3A_51 [1, 2] : vector<1x512x2048xf32> to vector<1xf32>
    %reduce_sum3A_53 = vector.shape_cast %reduce_sum3A_52 : vector<1xf32> to vector<1x1x1xf32>
    %reduce_sum3A_54 = vector.extract %reduce_sum3A_53[0, 0, 0] : f32 from vector<1x1x1xf32>
    %add3A_55 = arith.addf %get3A_49, %reduce_sum3A_54 : f32
    %swap3A_56 = arith.constant 3 : index
    %swap3A_57 = memref.load %arg4[%swap3A_56] : memref<4xf32, #tpu.memory_space<smem>>
    memref.store %add3A_55, %arg4[%swap3A_56] : memref<4xf32, #tpu.memory_space<smem>>
    return
  }
  func.func @transform_0(%arg0: i32) -> (i32, i32) {
    %c0_i32 = arith.constant 0 : i32
    %c0_i32_0 = arith.constant 0 : i32
    return %arg0, %c0_i32 : i32, i32
  }
  func.func @transform_1(%arg0: i32) -> (i32, i32) {
    %c0_i32 = arith.constant 0 : i32
    %c0_i32_0 = arith.constant 0 : i32
    return %arg0, %c0_i32 : i32, i32
  }
  func.func @transform_2(%arg0: i32) -> (i32, i32) {
    %c0_i32 = arith.constant 0 : i32
    %c0_i32_0 = arith.constant 0 : i32
    return %arg0, %c0_i32 : i32, i32
  }
  func.func @transform_3(%arg0: i32) -> i32 {
    %c0_i32 = arith.constant 0 : i32
    %c0_i32_0 = arith.constant 0 : i32
    return %c0_i32 : i32
  }
}

</mosaic_0001>

<sc_bundles>
// kernel: kernel.4.cloned.1.call-start
scs
__scs_entry_jumppad:
0x0: {  	(pc) =	sbr.rel $0x88, $3  }
0x1: {  	(tag) =	ssettag $0x0;
	lr =	simm.s32 $0x1  }
0x2: {  	[smem:$0x3F9D] =	sst lr;
	_ =	strace $0xD0000000  }
0x3: {  	_ = 	snop  }
0x4: {  	_ = 	snop  }
0x5: {  	_ = 	snop  }
0x6: {  	_ = 	snop  }
0x7: {  	_ = 	snop  }
__scs_overlays_trampoline_lowered:
0x8: {  	[smem:$0x3FAC] =	sst s0  }
0x9: {  	[smem:$0x3FAD] =	sst s1  }
0xa: {  	[smem:$0x3FAE] =	sst s2  }
0xb: {  	[smem:$0x3FAF] =	sst s3  }
0xc: {  	[smem:$0x3FB0] =	sst s4  }
0xd: {  	[smem:$0x3FB1] =	sst s5  }
0xe: {  	[smem:$0x3FB2] =	sst s6  }
0xf: {  	[smem:$0x3FB3] =	sst s7  }
0x10: {  	[smem:$0x3FB4] =	sst s8  }
0x11: {  	[smem:$0x3FB5] =	sst s9;
	s0 =	simm.s32 @!p0 $0x0  }
0x12: {  	s1 =	sld [smem:$0x3F9B];
	s0 =	simm.s32 @p0 $0x1  }
0x13: {  	[smem:$0x3FB6] =	sst s0;
	s0 =	simm.s32 @!p1 $0x0  }
0x14: {  	s2 =	sld [smem:$0x3F9A];
	s0 =	simm.s32 @p1 $0x1  }
0x15: {  	[smem:$0x3FB7] =	sst s0;
	s0 =	simm.s32 @!p2 $0x0  }
0x16: {  	s3 =	sld [smem:$0x3FDB];
	s0 =	simm.s32 @p2 $0x1  }
0x17: {  	s4 =	simm.s32 $0x1BF5;
	[smem:$0x3FB9] =	sst s0  }
0x18: {  	s0 =	sld [smem:$0x3F9C];
	_ =	swait.ge [sflag:s4], $0x0  }
0x19: {  	s7 =	sld [smem:$0x3F9D]  }
0x1a: {  	s8 =	sadd.s32 $0xFFFFE003, lr  }
0x1b: {  	s9 =	sadd.s32 $0xFFFFFEF7, lr;
	s5 =	simm.s32 $0xFFFFFFFF;
	p2 =	slt.u32 s8, $0xFFFFF086  }
0x1c: {  	p1 =	slt.u32 s9, $0xF7A;
	s5 =	simm.s32 @!p2 $0x0  }
0x1d: {  	s5 =	simm.s32 @p1 $0x1;
	p0 =	seq.s32 s7, s2  }
0x1e: {  	s7 =	smul.u32 @!p0 $0xF7A, s2;
	p2 =	seq.s32 @!p0 s5, $0x0  }
0x1f: {  	s9 =	smul.u32 $0xF7A, s1;
	s8 =	simm.s32 @!p0 $0x1BF5;
	p2 =	por !p2, p0  }
0x20: {  	[sflag:s8] =	ssyncset.s32 @!p0 $0xFFFFF086;
	s6 =	sadd.s32 @!p0 s3, s7;
	s7 =	simm.s32 @!p0 $0x108  }
0x21: {  	s3 =	sadd.s32 s3, s9;
	s6 =	sadd.s32 @!p0 $0x88, s6;
	s7 =	simm.s32 @p2 $0x1082  }
0x22: {  	[simem:s7], [sflag:s8] =	dma.local @!p0 [hbm:s6], $0xF7A  }
0x23: {  	s9 =	sor.u32 $0xD0000000, s2;
	s6 =	simm.s32 $0x108;
	_ =	swait.ge @!p0 [sflag:s8], $0x0  }
0x24: {  	s3 =	sadd.s32 $0x88, s3;
	s6 =	simm.s32 @!p1 $0x1082;
	[sflag:s4] =	ssyncset.s32 $0xFFFFF086  }
0x25: {  	[simem:s6], [sflag:s4] =	dma.local [hbm:s3], $0xF7A  }
0x26: {  	[smem:$0x3F9D] =	sst s1;
	(tag) =	ssettag s2;
	_ =	strace s9  }
0x27: {  	s1 =	sld [smem:$0x3FAD]  }
0x28: {  	s2 =	sld [smem:$0x3FAE]  }
0x29: {  	s4 =	sld [smem:$0x3FB0]  }
0x2a: {  	p0 =	seq.s32 s5, $0x0;
	s5 =	sld [smem:$0x3FB1]  }
0x2b: {  	s6 =	sld [smem:$0x3FB2]  }
0x2c: {  	s7 =	sld [smem:$0x3FB3]  }
0x2d: {  	s3 =	simm.s32 $0x108;
	s8 =	sld [smem:$0x3FB4]  }
0x2e: {  	s3 =	simm.s32 @!p0 $0x1082;
	s9 =	sld [smem:$0x3FB5]  }
0x2f: {  	lr =	sadd.s32 s0, s3;
	s0 =	sld [smem:$0x3FAC]  }
0x30: {  	s3 =	sld [smem:$0x3FAF]  }
0x31: {  	[smem:$0x3FB8] =	sst s10  }
0x32: {  	s10 =	sld [smem:$0x3FB6];
	_ =	sdelay $0x3  }
0x33: {  	p0 =	seq.s32 s10, $0x1;
	s10 =	sld [smem:$0x3FB8];
	_ =	sdelay $0x3  }
0x34: {  	[smem:$0x3FB8] =	sst s10  }
0x35: {  	s10 =	sld [smem:$0x3FB7];
	_ =	sdelay $0x3  }
0x36: {  	p1 =	seq.s32 s10, $0x1;
	s10 =	sld [smem:$0x3FB8];
	_ =	sdelay $0x3  }
0x37: {  	[smem:$0x3FB8] =	sst s10  }
0x38: {  	s10 =	sld [smem:$0x3FB9]  }
0x39: {  	_ = 	snop;
	(pc) =	sbr.ind lr, $3  }
0x3a: {  	_ = 	snop  }
0x3b: {  	_ = 	snop  }
0x3c: {  	p2 =	seq.s32 s10, $0x1;
	s10 =	sld [smem:$0x3FB8]  }
0x3d: {  	_ =	shalt  }
0x3e: {  	_ =	shalt  }
0x3f: {  	_ =	shalt  }
0x40: {  	_ =	shalt  }
0x41: {  	_ =	shalt  }
0x42: {  	_ =	shalt  }
0x43: {  	_ =	shalt  }
0x44: {  	_ =	shalt  }
0x45: {  	_ =	shalt  }
0x46: {  	_ =	shalt  }
0x47: {  	_ =	shalt  }
0x48: {  	_ =	shalt  }
0x49: {  	_ =	shalt  }
0x4a: {  	_ =	shalt  }
0x4b: {  	_ =	shalt  }
0x4c: {  	_ =	shalt  }
0x4d: {  	_ =	shalt  }
0x4e: {  	_ =	shalt  }
0x4f: {  	_ =	shalt  }
0x50: {  	_ =	shalt  }
0x51: {  	_ =	shalt  }
0x52: {  	_ =	shalt  }
0x53: {  	_ =	shalt  }
0x54: {  	_ =	shalt  }
0x55: {  	_ =	shalt  }
0x56: {  	_ =	shalt  }
0x57: {  	_ =	shalt  }
0x58: {  	_ =	shalt  }
0x59: {  	_ =	shalt  }
0x5a: {  	_ =	shalt  }
0x5b: {  	_ =	shalt  }
0x5c: {  	_ =	shalt  }
0x5d: {  	_ =	shalt  }
0x5e: {  	_ =	shalt  }
0x5f: {  	_ =	shalt  }
0x60: {  	_ =	shalt  }
0x61: {  	_ =	shalt  }
0x62: {  	_ =	shalt  }
0x63: {  	_ =	shalt  }
0x64: {  	_ =	shalt  }
0x65: {  	_ =	shalt  }
0x66: {  	_ =	shalt  }
0x67: {  	_ =	shalt  }
0x68: {  	_ =	shalt  }
0x69: {  	_ =	shalt  }
0x6a: {  	_ =	shalt  }
0x6b: {  	_ =	shalt  }
0x6c: {  	_ =	shalt  }
0x6d: {  	_ =	shalt  }
0x6e: {  	_ =	shalt  }
0x6f: {  	_ =	shalt  }
0x70: {  	_ =	shalt  }
0x71: {  	_ =	shalt  }
0x72: {  	_ =	shalt  }
0x73: {  	_ =	shalt  }
0x74: {  	_ =	shalt  }
0x75: {  	_ =	shalt  }
0x76: {  	_ =	shalt  }
0x77: {  	_ =	shalt  }
0x78: {  	_ =	shalt  }
0x79: {  	_ =	shalt  }
0x7a: {  	_ =	shalt  }
0x7b: {  	_ =	shalt  }
0x7c: {  	_ =	shalt  }
0x7d: {  	_ =	shalt  }
0x7e: {  	_ =	shalt  }
0x7f: {  	_ =	shalt  }
0x80: {  	_ =	shalt  }
0x81: {  	_ =	shalt  }
0x82: {  	_ =	shalt  }
0x83: {  	_ =	shalt  }
0x84: {  	_ =	shalt  }
0x85: {  	_ =	shalt  }
0x86: {  	_ =	shalt  }
0x87: {  	_ =	shalt  }
.Lfunc_end0:
.L_simem_size_0:
called_computation_lowered:
.L_overlay_start_0:
0x88: {  	s2 =	sld [smem:$0x3FD9]  }
0x89: {  	s3 =	sld [smem:$0x3FFE];
	_ =	sdelay $0x1  }
0x8a: {  	s1 =	srdreg.scid  }
0x8b: {  	s0 =	sand.u32 $0x1, s1  }
0x8c: {  	s17 =	sshll.u32 s0, $0xA;
	s2 =	sadd.s32 s3, s2  }
0x8d: {  	s2 =	sadd.s32 s2, s17  }
0x8e: {  	[smem:$0x3FC4] =	sst s2  }
0x8f: {  	_ = 	snop  }
0x90: {  	s2 =	sld [smem:$0x3FC9]  }
0x91: {  	s18 =	sld [smem:$0x3FC8];
	(tm) =	ssettm $0x1  }
0x92: {  	s4 =	sld [smem:$0x3FFB];
	_ =	sdelay $0x3  }
0x93: {  	_ =	strace s4  }
0x94: {  	s4 =	sld [smem:$0x3FFC];
	_ =	sdelay $0x3  }
0x95: {  	_ =	strace s4  }
0x96: {  	s4 =	sld [smem:$0x3FFD];
	_ =	sdelay $0x3  }
0x97: {  	_ =	strace s4  }
0x98: {  	_ =	strace $0x8FFFFFFF  }
0x99: {  	s19 =	sld [smem:$0x3FDB];
	_ =	sdelay $0x1  }
0x9a: {  	s5 =	simm.s32 $_scs_section_size  }
0x9b: {  	s6 =	simm.s32 $_size__tile_overlayer_lowered;
	s7 =	simm.s32 $_tile_overlayer_lowered  }
0x9c: {  	s22 =	simm.s32 $0x1BFF;
	s21 =	sshll.u32 s7, $0x1;
	s4 =	sadd.s32 s5, s19  }
0x9d: {  	s8 =	simm.s32 $0x0;
	s20 =	sshll.u32 s6, $0x1;
	s6 =	sadd.s32 s21, s4  }
0x9e: {  	[timem:s8], [sflag:s22] =	dma.local [hbm:s6], s20  }
0x9f: {  	_ =	swait.ge [sflag:s22], s20  }
0xa0: {  	s5 =	ssub.s32 $0x0, s20;
	[sflag:s22] =	ssyncset.done $0x0  }
0xa1: {  	[sflag:s22] =	ssyncadd.s32 s5;
	_ =	sdelay $0x1  }
0xa2: {  	s23 =	simm.s32 $0x1B8B  }
0xa3: {  	_ =	swait.ge [sflag:s23], $0x1  }
0xa4: {  	[sflag:s23] =	ssyncset.done $0x0  }
0xa5: {  	s25 =	simm.s32 $0x1B8E;
	s24 =	sld [smem:$0x3FFE];
	[sflag:s23] =	ssyncadd.s32 $0xFFFFFFFF  }
0xa6: {  	s26 =	simm.s32 $execute0_lowered;
	[smem:$0x3FD2] =	sst s25  }
0xa7: {  	s6 =	sshll.u32 s26, $0x1;
	_ =	strace $0x80000046;
	[dreg:$0x1] =	wrdreg $0xFFFFFFFF  }
0xa8: {  	s28 =	simm.s32 $_size_execute0_lowered;
	s4 =	sadd.s32 s4, s6;
	[dreg:$0x0] =	wrdreg $0x0  }
0xa9: {  	s6 =	sshll.u32 s28, $0x1;
	[dreg:$0x2] =	wrdreg s4  }
0xaa: {  	[dreg:$0x3] =	wrdreg s6  }
0xab: {  	[dreg:$0x4] =	wrdreg $0xC0  }
0xac: {  	_ =	task [dreg:s8], $0x5FFFF  }
0xad: {  	[dreg:$0x1] =	wrdreg $0xFFFFFFFF  }
0xae: {  	[dreg:$0x0] =	wrdreg $0x60  }
0xaf: {  	[dreg:$0x2] =	wrdreg s2  }
0xb0: {  	[dreg:$0x3] =	wrdreg s18  }
0xb1: {  	[dreg:$0x4] =	wrdreg s24  }
0xb2: {  	[dreg:$0x5] =	wrdreg $0x9  }
0xb3: {  	_ =	task.clear_ibuf [dreg:s8], $0x6FFFF;
	_ =	strace $0x90000046  }
0xb4: {  	s29 =	simm.s32 $0x9;
	_ =	strace $0x80000048  }
0xb5: {  	_ =	swait.ge [sflag:s29], $0x1  }
0xb6: {  	[sflag:s29] =	ssyncadd.s32 $0xFFFFFFFF  }
0xb7: {  	_ =	strace $0x90000048  }
0xb8: {  	_ =	sfence  }
0xb9: {  	s30 =	sld [smem:$0x0];
	_ =	sdelay $0x2  }
0xba: {  	s31 =	sshll.u32 s1, $0xD;
	s1 =	sshrl.u32 s1, $0x2  }
0xbb: {  	s3 =	sand.u32 $0x4000, s31;
	s1 =	sadd.s32 s1, s30  }
0xbc: {  	s0 =	sor.u32 s3, s0;
	s1 =	sshll.u32 s1, $0x11  }
0xbd: {  	s0 =	sor.u32 s1, s0  }
0xbe: {  	s0 =	sadd.s32 $0x8F2B, s0  }
0xbf: {  	[sflag:s0] =	ssyncadd.remote.s32 $0x1  }
0xc0: {  	_ =	sfence.sel $0xFFFF  }
0xc1: {  	[dreg:$0x0] =	wrdreg $0xFFFFFFFF;
	(pc) =	sbr.abs _section_cstart, $3  }
0xc2: {  	[dreg:$0x1] =	wrdreg $0xFFFFFFFF  }
0xc3: {  	_ =	task.clear_ibuf [dreg:s8], $0x2FFFF;
	_ =	strace $0x9FFFFFFF  }
0xc4: {  	(tm) =	ssettm $0x7FFFFFFF  }
0xc5: {  	_ =	shalt  }
tec
execute0_lowered:
.L_overlay_start_1:
0x0: {  	(tag) =	ssettag $0x1  }
0x1: {  	s1 =	rddreg [dreg:$0x0]  }
0x2: {  	s2 =	rddreg [dreg:$0x1]  }
0x3: {  	s0 =	rddreg [dreg:$0x2]  }
0x4: {  	s4 =	simm.s32 $0x0;
	s5 =	srdreg.scid;
	s3 =	stileid.u32  }
0x5: {  	s16 =	simm.s32 $0x8000;
	s17 =	simm.s32 $0x4000;
	s18 =	simm.s32 $0xC000  }
0x6: {  	s19 =	simm.s32 $0x1;
	s20 =	simm.s32 $0x2;
	s22 =	simm.s32 $0x3  }
0x7: {  	s23 =	simm.s32 $0x0;
	s6 =	sand.u32 $0x1, s5;
	s26 =	sshll.u32 s3, $0x1  }
0x8: {  	[smem:$0x7FF] =	sst s4;
	s5 =	sadd.s32 $0x101200, s0;
	s7 =	sor.u32 s6, s26  }
0x9: {  	_ =	strace $0x80000047;
	s10 =	ssub.s32 $0x2, s6;
	s8 =	smul.u32 $0x50, s7  }
0xa: {  	s9 =	sshll.u32 s7, $0x6;
	s6 =	smul.u32 $0x28000, s7;
	s28 =	sshrl.u32 s10, $0x1  }
0xb: {  	s0 =	sadd.s32 s9, s0;
	s15 =	ssub.s32 s10, s28;
	s13 =	sadd.s32 $0x1600, s8  }
.Ltmp0:
0xc: {  	s29 =	sshrl.u32 s6, $0x3;
	s14 =	sadd.s32 $0x1200, s0;
	(pc) =	sbr.rel .LBB2_1-.Ltmp0, $4  }
0xd: {  	s15 =	smax.u32 s15, $0x1;
	s8 =	sshll.u32 s13, $0x8;
	s11 =	sadd.s32 $0x160800, s29  }
0xe: {  	s9 =	sadd.s32 s5, s29;
	s13 =	sshrl.u32 s13, $0x3;
	s30 =	sadd.s32 s1, s8  }
0xf: {  	s31 =	sadd.s32 s2, s8;
	s10 =	sadd.s32 s1, s11;
	[dreg:$0x4] =	wrdreg s30  }
0x10: {  	s11 =	sadd.s32 s2, s11;
	s12 =	sadd.s32 $0x800, s9;
	[dreg:$0x5] =	wrdreg s31  }
.LBB2_18:
0x11: {  	v0 =	vcvt.s32.f32 v3;
	[tilespmem:$0x18000] =	vst v9  }
0x12: {  	v63 =	vcvt.s32.f32 v2;
	[tilespmem:$0x18100] =	vst v7;
	s23 =	sadd.s32 $0x1, s23  }
0x13: {  	p0 =	sne.s32 s23, s15;
	[tilespmem:$0x18080] =	vst v0  }
.Ltmp1:
0x14: {  	s0 =	simm.s32 $0x18000;
	[tilespmem:$0x18180] =	vst v63;
	(pc) =	sbr.rel @!p0 .LBB2_19-.Ltmp1, $4  }
0x15: {  	[hbm4b:s14+s4] =	stream.linear.scatter [tilespmem:s0], [sflag:$0x3], $0x200, $0x38;
	[tilespmem:$0x18200] =	vst v63  }
0x16: {  	_ =	swait.ge [sflag:s22], $0x200  }
0x17: {  	[sflag:s22] =	ssyncset.done $0x0  }
0x18: {  	[sflag:s22] =	ssyncadd.s32 $0xFFFFFE00  }
.LBB2_1:
0x19: {  	s0 =	rddreg [dreg:$0x4]  }
0x1a: {  	s31 =	rddreg [dreg:$0x5];
	s24 =	simm.s32 $0x10  }
0x1b: {  	[tilespmem:s4], [sflag:$0x1] =	stream.linear.gather [hbm4b:s0+s4], $0x4000, $0x38;
	[tilespmem:$0x18200] =	vst v63  }
0x1c: {  	s26 =	sadd.s32 $0x0, s9;
	s25 =	simm.s32 $0x10100;
	s0 =	simm.s32 $0x10000  }
0x1d: {  	[tilespmem:s16], [sflag:$0x1] =	stream.linear.gather [hbm4b:s31+s4], $0x4000, $0x38;
	[tilespmem:$0x18200] =	vst v63  }
.LBB2_2:
0x1e: {  	[tilespmem:s0], [sflag:$0x1] =	stream.linear.gather [hbm4b:s26+s4], $0x80, $0x38;
	[tilespmem:$0x18200] =	vst v63  }
0x1f: {  	s26 =	smov.u32 s24;
	s0 =	smov.u32 s25;
	p0 =	sne.s32 s24, $0x7F0  }
.Ltmp2:
0x20: {  	s24 =	sadd.s32 $0x10, s24;
	(pc) =	sbr.rel @p0 .LBB2_2-.Ltmp2, $2  }
0x21: {  	_ =	sdelay $0x2  }
0x22: {  	s25 =	sadd.s32 $0x100, s25;
	s26 =	sadd.s32 s26, s9  }
0x23: {  	[tilespmem:s0], [sflag:$0x1] =	stream.linear.gather [hbm4b:s26+s4], $0x80, $0x38;
	[tilespmem:$0x18200] =	vst v63  }
0x24: {  	s24 =	simm.s32 $0x0  }
0x25: {  	[tilespmem:s17], [sflag:$0x2] =	stream.linear.gather [hbm4b:s10+s24], $0x4000, $0x38;
	[tilespmem:$0x18200] =	vst v63  }
0x26: {  	s0 =	simm.s32 $0x10080;
	s25 =	simm.s32 $0x0  }
0x27: {  	[tilespmem:s18], [sflag:$0x2] =	stream.linear.gather [hbm4b:s11+s24], $0x4000, $0x38;
	[tilespmem:$0x18200] =	vst v63  }
.LBB2_4:
0x28: {  	p0 =	sne.s32 s25, $0x7F0  }
.Ltmp3:
0x29: {  	_ = 	snop;
	(pc) =	sbr.rel @p0 .LBB2_4-.Ltmp3, $4  }
0x2a: {  	_ = 	snop  }
0x2b: {  	s26 =	sadd.s32 s25, s12  }
0x2c: {  	[tilespmem:s0], [sflag:$0x2] =	stream.linear.gather [hbm4b:s26+s24], $0x80, $0x38;
	[tilespmem:$0x18200] =	vst v63  }
0x2d: {  	s25 =	sadd.s32 $0x10, s25;
	s0 =	sadd.s32 $0x100, s0  }
0x2e: {  	v7 =	vimm.f32 $0.0e+00  }
0x2f: {  	v2 =	vimm.s32 $0x0;
	v3 =	vimm.s32 $0x0;
	v9 =	vimm.f32 $0.0e+00  }
.LBB2_6:
0x30: {  	_ =	swait.ge [sflag:s19], $0x4000  }
0x31: {  	[sflag:s19] =	ssyncset.done $0x0  }
0x32: {  	[sflag:s19] =	ssyncadd.s32 $0xFFFFC000  }
0x33: {  	_ =	swait.ge [sflag:s19], $0x4000  }
0x34: {  	s0 =	simm.s32 $0x0;
	[sflag:s19] =	ssyncset.done $0x0  }
0x35: {  	s25 =	sand.u32 $0x40, s0;
	[sflag:s19] =	ssyncadd.s32 $0xFFFFC000  }
0x36: {  	s26 =	sand.u32 $0x3C00, s0;
	s28 =	sand.u32 $0x380, s0;
	_ =	swait.ge [sflag:s19], $0x4000  }
0x37: {  	s26 =	sor.u32 s28, s26;
	s28 =	sor.u32 $0x30, s25;
	[sflag:s19] =	ssyncset.done $0x0  }
0x38: {  	s0 =	sand.u32 $0x7F00, s0;
	s29 =	sor.u32 s28, s26;
	[sflag:s19] =	ssyncadd.s32 $0xFFFFC000  }
0x39: {  	s0 =	sor.u32 $0x10000, s0;
	v4 =	vld [tilespmem:s29+$0x0]  }
0x3a: {  	s30 =	sor.u32 $0x20, s25;
	s28 =	sor.u32 s28, s0;
	v5 =	vld [tilespmem:s29+$0x8000]  }
0x3b: {  	s29 =	sor.u32 s30, s26;
	v1 =	vld [tilespmem:s28+$0x0]  }
0x3c: {  	v8 =	vld [tilespmem:s29+$0x0]  }
0x3d: {  	s28 =	sor.u32 $0x10, s25;
	v10 =	vld [tilespmem:s29+$0x8000];
	s29 =	sor.u32 s30, s0  }
0x3e: {  	s7 =	sor.u32 s28, s26;
	v6 =	vld [tilespmem:s29+$0x0]  }
0x3f: {  	v12 =	vld [tilespmem:s7+$0x0]  }
0x40: {  	s28 =	sor.u32 s28, s0;
	v13 =	vld [tilespmem:s7+$0x8000]  }
0x41: {  	s26 =	sor.u32 s25, s26;
	v14 =	vld [tilespmem:s28+$0x0]  }
0x42: {  	s0 =	sor.u32 s25, s0;
	v15 =	vld [tilespmem:s26+$0x0]  }
0x43: {  	v16 =	vld [tilespmem:s0+$0x0]  }
0x44: {  	v17 =	vld [tilespmem:s26+$0x8000]  }
0x45: {  	s25 =	simm.s32 $0x200;
	s28 =	simm.s32 $0x4;
	s26 =	simm.s32 $0x40  }
0x46: {  	s29 =	sand.u32 $0x3C00, s25;
	s0 =	sand.u32 $0x40, s26;
	s28 =	sand.u32 $0x380, s28;
	v0 =	vand.u32 $0x1, v1;
	v1 =	vshra.s32 v1, $0x1;
	v18 =	vsub.f32 v4, v5  }
0x47: {  	s29 =	sor.u32 s28, s29;
	s8 =	sor.u32 $0x30, s0;
	s28 =	simm.s32 $0x80;
	v19 =	vsub.f32 v8, v10;
	v23 =	vcvt.s32.f32 v1;
	v5 =	vand.u32 $0x1, v6  }
0x48: {  	s31 =	sand.u32 $0x7F00, s28;
	s3 =	sor.u32 s8, s29;
	v6 =	vshra.s32 v6, $0x1;
	v22 =	vand.u32 $0x1, v16;
	v11 =	vand.u32 $0x1, v14  }
0x49: {  	s21 =	sor.u32 $0x10000, s31;
	v4 =	vld [tilespmem:s3+$0x0];
	v20 =	vsub.f32 v12, v13;
	v10 =	vsub.f32 v15, v17;
	v17 =	vcvt.s32.f32 v0  }
0x4a: {  	s31 =	sor.u32 $0x20, s0;
	v8 =	vld [tilespmem:s3+$0x8000];
	s7 =	sor.u32 s8, s21;
	v24 =	vshra.s32 v16, $0x1;
	v16 =	vshra.s32 v14, $0x1;
	v13 =	vcvt.s32.f32 v22  }
0x4b: {  	s8 =	sor.u32 s31, s29;
	v21 =	vcvt.s32.f32 v5;
	v12 =	vld [tilespmem:s7+$0x0];
	v25 =	vcvt.s32.f32 v24;
	v15 =	vand.u32 $0x7FFFFFFF, v10  }
0x4c: {  	v29 =	vand.u32 $0x7FFFFFFF, v18;
	v28 =	vcvt.s32.f32 v11;
	v10 =	vld [tilespmem:s8+$0x0];
	v27 =	vmul.f32 v13, v15  }
0x4d: {  	s7 =	sor.u32 $0x10, s0;
	v61 =	vcvt.s32.f32 v16;
	v20 =	vand.u32 $0x7FFFFFFF, v20;
	v13 =	vld [tilespmem:s8+$0x8000];
	s8 =	sor.u32 s31, s21;
	v15 =	vmul.f32 v25, v15  }
0x4e: {  	v26 =	vcvt.s32.f32 v6;
	s31 =	sor.u32 s7, s29;
	v28 =	vmul.f32 v28, v20;
	v14 =	vld [tilespmem:s8+$0x0];
	v27 =	vadd.f32 v27, v9  }
0x4f: {  	v19 =	vand.u32 $0x7FFFFFFF, v19;
	v20 =	vmul.f32 v61, v20;
	v9 =	vld [tilespmem:s31+$0x0];
	v30 =	vadd.f32 v15, v7  }
0x50: {  	v3 =	vadd.s32 v3, v22;
	s3 =	sor.u32 s7, s21;
	v63 =	vmul.f32 v21, v19;
	v15 =	vld [tilespmem:s31+$0x8000];
	v62 =	vadd.f32 v28, v27  }
0x51: {  	v22 =	vadd.s32 v2, v24;
	v21 =	vmul.f32 v26, v19;
	s31 =	sor.u32 s0, s29;
	v7 =	vld [tilespmem:s3+$0x0];
	v20 =	vadd.f32 v20, v30  }
0x52: {  	v18 =	vmul.f32 v17, v29;
	v19 =	vmul.f32 v23, v29;
	s0 =	sor.u32 s0, s21;
	s29 =	simm.s32 $0x8;
	v17 =	vld [tilespmem:s31+$0x0];
	v2 =	vadd.f32 v63, v62  }
.LBB2_7:
0x53: {  	p0 =	sne.s32 s29, $0x3FC;
	v23 =	vld [tilespmem:s0+$0x0];
	v3 =	vadd.s32 v11, v3;
	v11 =	vadd.s32 v16, v22;
	v16 =	vadd.f32 v21, v20  }
0x54: {  	v20 =	vld [tilespmem:s31+$0x8000];
	v3 =	vadd.s32 v5, v3;
	v5 =	vadd.s32 v6, v11;
	v2 =	vadd.f32 v18, v2  }
0x55: {  	s25 =	sadd.s32 $0x200, s25;
	s26 =	sadd.s32 $0x40, s26;
	v18 =	vadd.f32 v19, v16;
	v3 =	vadd.s32 v0, v3;
	v22 =	vadd.s32 v1, v5  }
0x56: {  	s3 =	sand.u32 $0x380, s29;
	s30 =	sand.u32 $0x40, s26;
	s0 =	sand.u32 $0x3C00, s25;
	v0 =	vand.u32 $0x1, v12;
	v1 =	vshra.s32 v12, $0x1;
	v19 =	vsub.f32 v4, v8  }
0x57: {  	v21 =	vsub.f32 v10, v13;
	s28 =	sadd.s32 $0x80, s28;
	v6 =	vshra.s32 v14, $0x1;
	s0 =	sor.u32 s3, s0;
	s3 =	sor.u32 $0x30, s30;
	v5 =	vand.u32 $0x1, v14  }
0x58: {  	s21 =	sand.u32 $0x7F00, s28;
	v9 =	vsub.f32 v9, v15;
	s31 =	sor.u32 s3, s0;
	v11 =	vand.u32 $0x1, v7;
	v24 =	vand.u32 $0x1, v23  }
0x59: {  	s21 =	sor.u32 $0x10000, s21;
	v25 =	vcvt.s32.f32 v1;
	v4 =	vld [tilespmem:s31+$0x0];
	v10 =	vsub.f32 v17, v20;
	v17 =	vcvt.s32.f32 v0  }
0x5a: {  	s7 =	sor.u32 $0x20, s30;
	s3 =	sor.u32 s3, s21;
	v23 =	vshra.s32 v23, $0x1;
	v13 =	vcvt.s32.f32 v24;
	v20 =	vcvt.s32.f32 v5;
	v8 =	vld [tilespmem:s31+$0x8000]  }
0x5b: {  	v26 =	vcvt.s32.f32 v6;
	v15 =	vcvt.s32.f32 v23;
	s31 =	sor.u32 s7, s0;
	v12 =	vld [tilespmem:s3+$0x0];
	v14 =	vand.u32 $0x7FFFFFFF, v10  }
0x5c: {  	v16 =	vshra.s32 v7, $0x1;
	v7 =	vcvt.s32.f32 v11;
	v10 =	vld [tilespmem:s31+$0x0];
	v27 =	vmul.f32 v13, v14  }
0x5d: {  	v28 =	vand.u32 $0x7FFFFFFF, v9;
	v29 =	vcvt.s32.f32 v16;
	s7 =	sor.u32 s7, s21;
	s3 =	sor.u32 $0x10, s30;
	v15 =	vmul.f32 v15, v14;
	v13 =	vld [tilespmem:s31+$0x8000]  }
.Ltmp4:
0x5e: {  	v19 =	vand.u32 $0x7FFFFFFF, v19;
	v7 =	vmul.f32 v7, v28;
	s31 =	sor.u32 s3, s0;
	v14 =	vld [tilespmem:s7+$0x0];
	v2 =	vadd.f32 v27, v2;
	(pc) =	sbr.rel @p0 .LBB2_7-.Ltmp4, $4  }
0x5f: {  	v21 =	vand.u32 $0x7FFFFFFF, v21;
	v28 =	vmul.f32 v29, v28;
	v27 =	vadd.f32 v15, v18;
	v9 =	vld [tilespmem:s31+$0x0]  }
0x60: {  	v29 =	vmul.f32 v20, v21;
	s3 =	sor.u32 s3, s21;
	v18 =	vmul.f32 v17, v19;
	v15 =	vld [tilespmem:s31+$0x8000];
	v2 =	vadd.f32 v7, v2  }
0x61: {  	v21 =	vmul.f32 v26, v21;
	v19 =	vmul.f32 v25, v19;
	s31 =	sor.u32 s30, s0;
	v20 =	vadd.f32 v28, v27;
	v7 =	vld [tilespmem:s3+$0x0]  }
0x62: {  	s29 =	sadd.s32 $0x4, s29;
	v3 =	vadd.s32 v3, v24;
	v22 =	vadd.s32 v22, v23;
	s0 =	sor.u32 s30, s21;
	v17 =	vld [tilespmem:s31+$0x0];
	v2 =	vadd.f32 v29, v2  }
0x63: {  	v23 =	vld [tilespmem:s0+$0x0];
	v3 =	vadd.s32 v11, v3;
	v40 =	vadd.s32 v16, v22;
	v41 =	vadd.f32 v21, v20  }
0x64: {  	v42 =	vld [tilespmem:s31+$0x8000];
	v4 =	vsub.f32 v4, v8;
	v44 =	vand.u32 $0x1, v14;
	v45 =	vshra.s32 v14, $0x1  }
0x65: {  	v10 =	vsub.f32 v10, v13;
	v3 =	vadd.s32 v5, v3;
	v5 =	vadd.s32 v6, v40  }
0x66: {  	v2 =	vadd.f32 v18, v2;
	v53 =	vcvt.s32.f32 v44;
	v55 =	vcvt.s32.f32 v45  }
0x67: {  	v43 =	vadd.f32 v19, v41;
	v0 =	vadd.s32 v0, v3;
	v1 =	vadd.s32 v1, v5  }
0x68: {  	v3 =	vand.u32 $0x1, v12;
	v5 =	vshra.s32 v12, $0x1;
	v9 =	vsub.f32 v9, v15  }
0x69: {  	v4 =	vand.u32 $0x7FFFFFFF, v4;
	v46 =	vand.u32 $0x1, v23;
	v48 =	vsub.f32 v17, v42  }
0x6a: {  	v10 =	vand.u32 $0x7FFFFFFF, v10;
	v51 =	vshra.s32 v23, $0x1;
	v52 =	vcvt.s32.f32 v46  }
0x6b: {  	v47 =	vand.u32 $0x1, v7;
	v54 =	vcvt.s32.f32 v51;
	v14 =	vand.u32 $0x7FFFFFFF, v48  }
0x6c: {  	v56 =	vshra.s32 v7, $0x1;
	v57 =	vcvt.s32.f32 v47;
	v18 =	vmul.f32 v52, v14  }
0x6d: {  	v9 =	vand.u32 $0x7FFFFFFF, v9;
	v58 =	vcvt.s32.f32 v56;
	v14 =	vmul.f32 v54, v14  }
0x6e: {  	v49 =	vcvt.s32.f32 v3;
	v59 =	vmul.f32 v57, v9;
	v2 =	vadd.f32 v18, v2  }
0x6f: {  	v50 =	vcvt.s32.f32 v5;
	v9 =	vmul.f32 v58, v9;
	v6 =	vadd.f32 v14, v43  }
0x70: {  	p0 =	seq.s32 s24, $0x4;
	v60 =	vmul.f32 v53, v10;
	v61 =	vmul.f32 v55, v10;
	v2 =	vadd.f32 v59, v2  }
.Ltmp5:
0x71: {  	v15 =	vmul.f32 v49, v4;
	v4 =	vmul.f32 v50, v4;
	v6 =	vadd.f32 v9, v6;
	(pc) =	sbr.rel @p0 .LBB2_12-.Ltmp5, $4  }
0x72: {  	v0 =	vadd.s32 v0, v46;
	v1 =	vadd.s32 v1, v51;
	v2 =	vadd.f32 v60, v2  }
0x73: {  	v0 =	vadd.s32 v47, v0;
	v1 =	vadd.s32 v56, v1;
	v6 =	vadd.f32 v61, v6  }
0x74: {  	v62 =	vadd.s32 v44, v0;
	v63 =	vadd.s32 v45, v1;
	v1 =	vadd.f32 v15, v2  }
0x75: {  	s25 =	sshll.u32 s24, $0x1;
	v0 =	vadd.f32 v4, v6;
	v2 =	vadd.s32 v3, v62;
	v3 =	vadd.s32 v5, v63  }
0x76: {  	s0 =	sadd.s32 $0x2, s25  }
0x77: {  	s3 =	sadd.s32 s13, s0;
	s0 =	sshll.u32 s0, $0xE  }
0x78: {  	s21 =	simm.s32 $0x0;
	s3 =	sshll.u32 s3, $0xB;
	s0 =	sadd.s32 s6, s0  }
0x79: {  	s26 =	simm.s32 $0x10000;
	s3 =	sand.u32 $0x1FFFF000, s3;
	s0 =	sshrl.u32 s0, $0x3  }
0x7a: {  	s28 =	simm.s32 $0x10;
	s7 =	sadd.s32 s1, s3;
	s0 =	sadd.s32 s5, s0  }
0x7b: {  	[tilespmem:s21], [sflag:$0x1] =	stream.linear.gather [hbm4b:s7+s21], $0x4000, $0x38;
	[tilespmem:$0x18200] =	vst v63  }
0x7c: {  	s29 =	simm.s32 $0x10100;
	s3 =	sadd.s32 s2, s3;
	s30 =	sadd.s32 $0x0, s0  }
0x7d: {  	[tilespmem:s16], [sflag:$0x1] =	stream.linear.gather [hbm4b:s3+s21], $0x4000, $0x38;
	[tilespmem:$0x18200] =	vst v63  }
.LBB2_10:
0x7e: {  	[tilespmem:s26], [sflag:$0x1] =	stream.linear.gather [hbm4b:s30+s4], $0x80, $0x38;
	[tilespmem:$0x18200] =	vst v63  }
0x7f: {  	s3 =	smov.u32 s28;
	s26 =	smov.u32 s29;
	p1 =	sne.s32 s28, $0x7F0  }
.Ltmp6:
0x80: {  	s28 =	sadd.s32 $0x10, s28;
	(pc) =	sbr.rel @p1 .LBB2_10-.Ltmp6, $2  }
0x81: {  	_ =	sdelay $0x2  }
0x82: {  	s29 =	sadd.s32 $0x100, s29;
	s30 =	sadd.s32 s3, s0  }
0x83: {  	[tilespmem:s26], [sflag:$0x1] =	stream.linear.gather [hbm4b:s30+s4], $0x80, $0x38;
	[tilespmem:$0x18200] =	vst v63  }
.LBB2_12:
0x84: {  	_ =	swait.ge [sflag:s20], $0x4000  }
0x85: {  	[sflag:s20] =	ssyncset.done $0x0  }
0x86: {  	[sflag:s20] =	ssyncadd.s32 $0xFFFFC000  }
0x87: {  	_ =	swait.ge [sflag:s20], $0x4000  }
0x88: {  	[sflag:s20] =	ssyncset.done $0x0  }
0x89: {  	s0 =	simm.s32 $0x0;
	[sflag:s20] =	ssyncadd.s32 $0xFFFFC000  }
0x8a: {  	s3 =	sand.u32 $0x3C00, s0;
	s7 =	sand.u32 $0x380, s0;
	_ =	swait.ge [sflag:s20], $0x4000  }
0x8b: {  	s0 =	sand.u32 $0x40, s0;
	s3 =	sor.u32 s7, s3;
	[sflag:s20] =	ssyncset.done $0x0  }
0x8c: {  	s0 =	sor.u32 s0, s3;
	[sflag:s20] =	ssyncadd.s32 $0xFFFFC000  }
0x8d: {  	v4 =	vld [tilespmem:s0+$0xC030]  }
0x8e: {  	v5 =	vld [tilespmem:s0+$0x4030]  }
0x8f: {  	p1 =	por $0x0, $0x0;
	s3 =	simm.s32 $0x1;
	v6 =	vld [tilespmem:s0+$0xC000]  }
0x90: {  	s3 =	simm.s32 @!p1 $0x0;
	v7 =	vld [tilespmem:s0+$0xC020]  }
0x91: {  	s3 =	sshll.u32 s3, $0x6;
	v8 =	vld [tilespmem:s0+$0x4020]  }
0x92: {  	s3 =	sadd.s32 $0x0, s3;
	v9 =	vld [tilespmem:s0+$0xC010]  }
0x93: {  	s21 =	sadd.s32 $0x10, s3;
	v10 =	vld [tilespmem:s0+$0x4010]  }
0x94: {  	s7 =	sor.u32 $0x80, s21;
	v11 =	vld [tilespmem:s0+$0x4000]  }
0x95: {  	s8 =	sor.u32 $0x80, s3;
	s21 =	sadd.s32 $0x20, s3;
	v12 =	vld [tilespmem:s7+$0x10000]  }
0x96: {  	s26 =	sor.u32 $0x80, s21;
	v14 =	vld [tilespmem:s8+$0x10000]  }
0x97: {  	v13 =	vld [tilespmem:s26+$0x10000];
	_ =	sdelay $0x1  }
0x98: {  	s0 =	sadd.s32 $0x30, s3;
	s21 =	simm.s32 $0x200;
	s26 =	simm.s32 $0x4;
	v7 =	vsub.f32 v8, v7;
	v8 =	vsub.f32 v10, v9  }
0x99: {  	s8 =	simm.s32 $0x40;
	s3 =	sand.u32 $0x3C00, s21;
	s7 =	sand.u32 $0x380, s26;
	v4 =	vsub.f32 v5, v4;
	v5 =	vsub.f32 v11, v6;
	v6 =	vand.u32 $0x1, v12  }
0x9a: {  	s0 =	sor.u32 $0x80, s0;
	s21 =	sand.u32 $0x40, s8;
	s3 =	sor.u32 s7, s3;
	v9 =	vshra.s32 v12, $0x1;
	v15 =	vand.u32 $0x1, v14;
	v11 =	vcvt.s32.f32 v6  }
0x9b: {  	v16 =	vld [tilespmem:s0+$0x10000];
	s3 =	sor.u32 s21, s3;
	v10 =	vshra.s32 v13, $0x1;
	v12 =	vcvt.s32.f32 v9;
	v17 =	vcvt.s32.f32 v15  }
0x9c: {  	v19 =	vld [tilespmem:s3+$0xC030];
	v20 =	vand.u32 $0x1, v13;
	v2 =	vadd.s32 v2, v15;
	v5 =	vand.u32 $0x7FFFFFFF, v5  }
0x9d: {  	p1 =	por !p1, !p1;
	s0 =	simm.s32 $0x1;
	v21 =	vld [tilespmem:s3+$0x4020];
	v8 =	vand.u32 $0x7FFFFFFF, v8;
	v18 =	vand.u32 $0x7FFFFFFF, v4;
	v4 =	vshra.s32 v14, $0x1  }
0x9e: {  	s0 =	simm.s32 @!p1 $0x0;
	v22 =	vld [tilespmem:s3+$0x4010];
	v7 =	vand.u32 $0x7FFFFFFF, v7;
	v12 =	vmul.f32 v12, v8;
	v14 =	vcvt.s32.f32 v4  }
0x9f: {  	s0 =	sshll.u32 s0, $0x6;
	v13 =	vld [tilespmem:s3+$0xC020];
	v3 =	vadd.s32 v3, v4;
	v4 =	vmul.f32 v17, v5;
	v8 =	vmul.f32 v11, v8  }
0xa0: {  	s0 =	sadd.s32 $0x80, s0;
	v15 =	vld [tilespmem:s3+$0xC010];
	v17 =	vadd.s32 v6, v2;
	v11 =	vcvt.s32.f32 v10;
	v2 =	vadd.s32 v9, v3  }
0xa1: {  	s26 =	sadd.s32 $0x10, s0;
	v3 =	vcvt.s32.f32 v20;
	v9 =	vld [tilespmem:s3+$0x4000];
	v1 =	vadd.f32 v4, v1;
	v5 =	vmul.f32 v14, v5  }
0xa2: {  	s7 =	sor.u32 $0x80, s26;
	v4 =	vand.u32 $0x1, v16;
	v14 =	vld [tilespmem:s3+$0x4030];
	v16 =	vshra.s32 v16, $0x1;
	v2 =	vadd.s32 v10, v2  }
0xa3: {  	s8 =	sadd.s32 $0x20, s0;
	v63 =	vmul.f32 v11, v7;
	v11 =	vld [tilespmem:s7+$0x10000];
	v6 =	vmul.f32 v3, v7;
	v5 =	vadd.f32 v5, v0  }
0xa4: {  	s21 =	sor.u32 $0x80, s8;
	v3 =	vld [tilespmem:s3+$0xC000];
	v23 =	vcvt.s32.f32 v16;
	v10 =	vcvt.s32.f32 v4;
	v0 =	vsub.f32 v21, v13  }
0xa5: {  	s31 =	simm.s32 $0x100;
	s28 =	simm.s32 $0x80;
	v13 =	vadd.f32 v8, v1;
	v1 =	vadd.s32 v16, v2;
	v2 =	vld [tilespmem:s21+$0x10000];
	v24 =	vadd.f32 v12, v5  }
0xa6: {  	s29 =	simm.s32 $0x400;
	s26 =	sadd.s32 $0x30, s0;
	s0 =	sor.u32 $0x80, s0;
	v7 =	vsub.f32 v22, v15;
	v15 =	vadd.s32 v20, v17;
	v10 =	vmul.f32 v10, v18  }
0xa7: {  	s30 =	simm.s32 $0x8;
	p1 =	por !p1, !p1;
	s26 =	sor.u32 $0x80, s26;
	v12 =	vmul.f32 v23, v18;
	v5 =	vld [tilespmem:s0+$0x10000];
	v8 =	vsub.f32 v14, v19;
	v14 =	vadd.f32 v63, v24  }
.LBB2_13:
0xa8: {  	s0 =	simm.s32 $0x1;
	s3 =	sand.u32 $0x3C00, s29  }
0xa9: {  	s7 =	sand.u32 $0x380, s30;
	v3 =	vsub.f32 v9, v3;
	v9 =	vshra.s32 v11, $0x1;
	v6 =	vadd.f32 v6, v13;
	s21 =	smov.u32 s31;
	s0 =	simm.s32 @!p1 $0x0  }
0xaa: {  	s8 =	sand.u32 $0x40, s28;
	v11 =	vand.u32 $0x1, v11;
	v4 =	vadd.s32 v4, v15;
	s3 =	sor.u32 s7, s3;
	v13 =	vshra.s32 v2, $0x1;
	s0 =	sshll.u32 s0, $0x6  }
0xab: {  	v15 =	vcvt.s32.f32 v11;
	v16 =	vcvt.s32.f32 v9;
	v12 =	vadd.f32 v12, v14;
	s3 =	sor.u32 s8, s3;
	s7 =	sadd.s32 s0, s21;
	s0 =	sadd.s32 $0x80, s31;
	v17 =	vld [tilespmem:s26+$0x10000]  }
0xac: {  	v19 =	vand.u32 $0x7FFFFFFF, v3;
	v6 =	vadd.f32 v10, v6;
	v18 =	vand.u32 $0x1, v5;
	s8 =	sor.u32 $0x80, s7;
	s21 =	sadd.s32 $0x10, s7;
	v14 =	vld [tilespmem:s3+$0xC030];
	s26 =	sadd.s32 $0x30, s7  }
0xad: {  	v7 =	vand.u32 $0x7FFFFFFF, v7;
	v8 =	vand.u32 $0x7FFFFFFF, v8;
	s7 =	sadd.s32 $0x20, s7;
	v10 =	vcvt.s32.f32 v18;
	s21 =	sor.u32 $0x80, s21;
	v20 =	vld [tilespmem:s3+$0x4030];
	s26 =	sor.u32 $0x80, s26  }
0xae: {  	p2 =	sne.s32 s31, $0x7F80;
	v21 =	vand.u32 $0x1, v2;
	v5 =	vshra.s32 v5, $0x1;
	v16 =	vmul.f32 v16, v7;
	s7 =	sor.u32 $0x80, s7;
	v3 =	vld [tilespmem:s3+$0xC000]  }
0xaf: {  	v2 =	vcvt.s32.f32 v5;
	v1 =	vadd.s32 v1, v5;
	v5 =	vand.u32 $0x7FFFFFFF, v0;
	v22 =	vld [tilespmem:s3+$0xC020]  }
0xb0: {  	v7 =	vmul.f32 v15, v7;
	v4 =	vadd.s32 v4, v18;
	v10 =	vmul.f32 v10, v19;
	v0 =	vld [tilespmem:s3+$0x4020]  }
0xb1: {  	v18 =	vadd.s32 v11, v4;
	v1 =	vadd.s32 v9, v1;
	v11 =	vcvt.s32.f32 v21;
	v15 =	vld [tilespmem:s3+$0xC010]  }
0xb2: {  	v2 =	vmul.f32 v2, v19;
	v10 =	vadd.f32 v10, v6;
	v4 =	vand.u32 $0x1, v17;
	v23 =	vld [tilespmem:s3+$0x4010]  }
0xb3: {  	v19 =	vcvt.s32.f32 v13;
	v6 =	vmul.f32 v11, v5;
	v17 =	vshra.s32 v17, $0x1;
	v9 =	vld [tilespmem:s3+$0x4000]  }
.Ltmp7:
0xb4: {  	v1 =	vadd.s32 v13, v1;
	v12 =	vadd.f32 v2, v12;
	v24 =	vcvt.s32.f32 v17;
	v11 =	vld [tilespmem:s21+$0x10000];
	(pc) =	sbr.rel @p2 .LBB2_13-.Ltmp7, $4  }
0xb5: {  	v19 =	vmul.f32 v19, v5;
	v2 =	vld [tilespmem:s7+$0x10000];
	v0 =	vsub.f32 v0, v22;
	v22 =	vcvt.s32.f32 v4  }
0xb6: {  	v1 =	vadd.s32 v17, v1;
	v13 =	vadd.f32 v7, v10;
	v16 =	vadd.f32 v16, v12  }
0xb7: {  	s28 =	sadd.s32 $0x40, s28;
	s29 =	sadd.s32 $0x200, s29;
	v12 =	vmul.f32 v24, v8;
	v5 =	vld [tilespmem:s8+$0x10000];
	v7 =	vsub.f32 v23, v15;
	v10 =	vmul.f32 v22, v8  }
0xb8: {  	s30 =	sadd.s32 $0x4, s30;
	p1 =	por !p1, !p1;
	s31 =	smov.u32 s0;
	v8 =	vsub.f32 v20, v14;
	v14 =	vadd.f32 v19, v16;
	v15 =	vadd.s32 v21, v18  }
0xb9: {  	v3 =	vsub.f32 v9, v3;
	v9 =	vshra.s32 v11, $0x1  }
0xba: {  	v6 =	vadd.f32 v6, v13;
	v11 =	vand.u32 $0x1, v11;
	v4 =	vadd.s32 v4, v15  }
0xbb: {  	v7 =	vand.u32 $0x7FFFFFFF, v7;
	v0 =	vand.u32 $0x7FFFFFFF, v0;
	v59 =	vshra.s32 v2, $0x1  }
0xbc: {  	v60 =	vcvt.s32.f32 v11;
	v16 =	vcvt.s32.f32 v9;
	v12 =	vadd.f32 v12, v14  }
0xbd: {  	v17 =	vld [tilespmem:s26+$0x10000];
	v8 =	vand.u32 $0x7FFFFFFF, v8;
	v18 =	vand.u32 $0x1, v2;
	v61 =	vand.u32 $0x1, v5  }
0xbe: {  	v6 =	vadd.f32 v10, v6;
	v5 =	vshra.s32 v5, $0x1;
	v10 =	vcvt.s32.f32 v61  }
0xbf: {  	v3 =	vand.u32 $0x7FFFFFFF, v3;
	v16 =	vmul.f32 v16, v7;
	v2 =	vcvt.s32.f32 v5  }
0xc0: {  	v7 =	vmul.f32 v60, v7;
	v1 =	vadd.s32 v1, v5;
	v5 =	vmul.f32 v10, v3  }
0xc1: {  	v4 =	vadd.s32 v4, v61;
	v10 =	vcvt.s32.f32 v18;
	v2 =	vmul.f32 v2, v3  }
0xc2: {  	v62 =	vshra.s32 v17, $0x1;
	v3 =	vadd.f32 v5, v6;
	v5 =	vand.u32 $0x1, v17  }
0xc3: {  	v6 =	vmul.f32 v10, v0;
	v10 =	vcvt.s32.f32 v59;
	v2 =	vadd.f32 v2, v12  }
0xc4: {  	v1 =	vadd.s32 v9, v1;
	v63 =	vcvt.s32.f32 v5;
	v3 =	vadd.f32 v7, v3  }
.Ltmp8:
0xc5: {  	v9 =	vcvt.s32.f32 v62;
	v0 =	vmul.f32 v10, v0;
	v2 =	vadd.f32 v16, v2;
	(pc) =	sbr.rel @p0 .LBB2_18-.Ltmp8, $4  }
0xc6: {  	v4 =	vadd.s32 v11, v4;
	v10 =	vmul.f32 v63, v8;
	v6 =	vadd.f32 v6, v3  }
0xc7: {  	v1 =	vadd.s32 v59, v1;
	v7 =	vmul.f32 v9, v8;
	v0 =	vadd.f32 v0, v2  }
0xc8: {  	v2 =	vadd.s32 v62, v1;
	v1 =	vadd.s32 v18, v4;
	v9 =	vadd.f32 v10, v6  }
0xc9: {  	v3 =	vadd.s32 v5, v1;
	v7 =	vadd.f32 v7, v0  }
0xca: {  	s0 =	sadd.s32 $0x3, s25  }
0xcb: {  	s3 =	sadd.s32 s13, s0;
	s0 =	sshll.u32 s0, $0xE  }
0xcc: {  	s3 =	sshll.u32 s3, $0xB;
	s0 =	sadd.s32 s6, s0  }
0xcd: {  	s8 =	simm.s32 $0x0;
	s7 =	sadd.s32 s1, s3;
	s0 =	sshrl.u32 s0, $0x3  }
0xce: {  	[tilespmem:s17], [sflag:$0x2] =	stream.linear.gather [hbm4b:s7+s8], $0x4000, $0x38;
	[tilespmem:$0x18200] =	vst v63  }
0xcf: {  	s25 =	simm.s32 $0x10080;
	s26 =	simm.s32 $0x10;
	s0 =	sadd.s32 s5, s0  }
0xd0: {  	s28 =	simm.s32 $0x10180;
	s3 =	sadd.s32 s2, s3;
	s29 =	sadd.s32 $0x0, s0  }
0xd1: {  	[tilespmem:s18], [sflag:$0x2] =	stream.linear.gather [hbm4b:s3+s8], $0x4000, $0x38;
	[tilespmem:$0x18200] =	vst v63  }
.LBB2_16:
0xd2: {  	[tilespmem:s25], [sflag:$0x2] =	stream.linear.gather [hbm4b:s29+s4], $0x80, $0x38;
	[tilespmem:$0x18200] =	vst v63  }
0xd3: {  	s3 =	smov.u32 s26;
	s25 =	smov.u32 s28;
	p0 =	sne.s32 s26, $0x7F0  }
.Ltmp9:
0xd4: {  	s26 =	sadd.s32 $0x10, s26;
	(pc) =	sbr.rel @p0 .LBB2_16-.Ltmp9, $2  }
0xd5: {  	_ =	sdelay $0x2  }
0xd6: {  	s28 =	sadd.s32 $0x100, s28;
	s29 =	sadd.s32 s3, s0  }
.Ltmp10:
0xd7: {  	(pc) =	sbr.rel .LBB2_6-.Ltmp10, $3  }
0xd8: {  	_ =	sdelay $0x1  }
0xd9: {  	[tilespmem:s25], [sflag:$0x2] =	stream.linear.gather [hbm4b:s29+s4], $0x80, $0x38;
	[tilespmem:$0x18200] =	vst v63  }
0xda: {  	s24 =	sadd.s32 $0x1, s24  }
.LBB2_19:
0xdb: {  	_ =	sfence.sel $0x180000  }
0xdc: {  	[bflag:$0x0] =	sbarrier.arrive $0xFFFF  }
0xdd: {  	_ =	strace $0x90000047  }
0xde: {  	s0 =	stileid.u32;
	[bflag:$0x2] =	sbarrier.arrive $0xFFFF  }
0xdf: {  	p0 =	sne.s32 s0, $0x0;
	s0 =	rddreg [dreg:$0x3]  }
0xe0: {  	s0 =	sadd.s32 @!p0 $0x100000, s0  }
0xe1: {  	[sflag:s0] =	ssyncadd.tile.s32 @!p0 $0x1;
	_ =	shalt  }
.Lfunc_end2:
_tile_overlayer_lowered:
.L_overlay_start_2:
0xe2: {  	(tag) =	ssettag $0x2  }
0xe3: {  	s0 =	rddreg [dreg:$0x0];
	s2 =	stileid.u32  }
0xe4: {  	s1 =	rddreg [dreg:$0x1];
	p0 =	sne.s32 s2, $0x0  }
0xe5: {  	s3 =	rddreg [dreg:$0x2];
	[bflag:$0x3] =	sbarrier.arrive $0xFFFF;
	s2 =	simm.s32 @!p0 $0x1C03  }
0xe6: {  	[timem:s3], [sflag:s2] =	dma.local @!p0 [hbm:s0], s1  }
0xe7: {  	s0 =	simm.s32 @!p0 $0x3  }
0xe8: {  	_ =	swait.ge @!p0 [sflag:s0], s1  }
0xe9: {  	s1 =	ssub.s32 @!p0 $0x0, s1;
	[sflag:s0] =	ssyncset.done @!p0 $0x0  }
0xea: {  	[sflag:s0] =	ssyncadd.s32 @!p0 s1  }
0xeb: {  	[bflag:$0x3] =	sbarrier.arrive $0xFFFF  }
0xec: {  	_ =	shalt  }

</sc_bundles>
